<compile_context>
chip_gen: v7x
topology: tpu7x:2x2x1
jax: 0.10.2.dev20260603
libtpu: 0.0.44.dev20260713+nightly
codegen_flags: <defaults>
</compile_context>

<pallas_src>
import jax
import jax.numpy as jnp
from jax import lax
from jax.experimental import pallas as pl
from jax.experimental.pallas import tpu as pltpu
from jax.experimental.pallas import tpu_sc as plsc

B = 1024
NUM_NUM = 13
N_CAT = 26
CAT_VOCAB = 1000
D = 64
NC = 2
NS = 16
NW = NC * NS
RW = B // NW
CPW = RW * N_CAT
CCH = 8
CW = CPW // CCH


def _sc_body(catidx_hbm, ctab_hbm, wcat_hbm,
             s_hbm, q_hbm, wv_hbm,
             cidx, crows, wvals, smv, qmv, sem):
    wid = lax.axis_index("s") * NC + lax.axis_index("c")
    base = wid * RW

    pltpu.sync_copy(catidx_hbm.at[wid], cidx)

    copies = []
    for c in range(CCH):
        copies.append(pltpu.async_copy(
            ctab_hbm.at[cidx.at[c]], crows.at[pl.ds(c * CW, CW)], sem))
    for c in range(CCH):
        copies.append(pltpu.async_copy(
            wcat_hbm.at[cidx.at[c]], wvals.at[pl.ds(c * CW, CW)], sem))
    for cp in copies:
        cp.wait()

    pltpu.sync_copy(wvals, wv_hbm.at[pl.ds(wid * CPW, CPW)])

    zero = jnp.zeros((16,), jnp.float32)

    def row_body(r, _):
        s = [zero] * 4
        q = [zero] * 4
        cb = r * N_CAT
        for f in range(N_CAT):
            for c in range(4):
                v = crows[cb + f, pl.ds(c * 16, 16)]
                s[c] = s[c] + v
                q[c] = q[c] + v * v
        for c in range(4):
            smv[r, pl.ds(c * 16, 16)] = s[c]
            qmv[r, pl.ds(c * 16, 16)] = q[c]
        return 0

    lax.fori_loop(0, RW, row_body, 0)
    pltpu.sync_copy(smv, s_hbm.at[pl.ds(base, RW)])
    pltpu.sync_copy(qmv, q_hbm.at[pl.ds(base, RW)])


_sc_call = pl.kernel(
    _sc_body,
    out_type=(
        jax.ShapeDtypeStruct((B, D), jnp.float32),
        jax.ShapeDtypeStruct((B, D), jnp.float32),
        jax.ShapeDtypeStruct((NW * CPW,), jnp.float32),
    ),
    mesh=plsc.VectorSubcoreMesh(core_axis_name="c", subcore_axis_name="s"),
    scratch_types=[
        pltpu.VMEM((CCH, CW), jnp.int32),
        pltpu.VMEM((CPW, D), jnp.float32),
        pltpu.VMEM((CPW,), jnp.float32),
        pltpu.VMEM((RW, D), jnp.float32),
        pltpu.VMEM((RW, D), jnp.float32),
        pltpu.SemaphoreType.DMA,
    ],
    compiler_params=pltpu.CompilerParams(use_tc_tiling_on_sc=False),
)


def _tc_num_body(nidx_ref, ntab_ref, wnum_ref, snum_ref, qnum_ref, nlin_ref):
    nidx = nidx_ref[...]
    cols = [
        jnp.sum(jnp.where(nidx == i, 1.0, 0.0), axis=1, keepdims=True)
        for i in range(NUM_NUM)
    ]
    cnt = jnp.concatenate(cols, axis=1)
    ntab = ntab_ref[...]
    snum_ref[...] = jnp.dot(cnt, ntab, preferred_element_type=jnp.float32)
    qnum_ref[...] = jnp.dot(
        cnt, ntab * ntab, preferred_element_type=jnp.float32)
    nlin_ref[...] = jnp.sum(
        nidx.astype(jnp.float32) * wnum_ref[...], axis=1, keepdims=True)


def _tc_main_body(scat_ref, qcat_ref, snum_ref, qnum_ref, wv_ref, nlin_ref,
                  w1_ref, b1_ref, w2_ref, b2_ref, woutt_ref, bsum_ref,
                  out_ref):
    s = scat_ref[...] + snum_ref[...]
    q = qcat_ref[...] + qnum_ref[...]
    fm = 0.5 * (s * s - q)

    x = jnp.dot(fm, w1_ref[...], preferred_element_type=jnp.float32)
    x = jnp.maximum(x + b1_ref[...], 0.0)
    x = jnp.dot(x, w2_ref[...], preferred_element_type=jnp.float32)
    x = jnp.maximum(x + b2_ref[...], 0.0)
    inter = jnp.sum(x * woutt_ref[...], axis=1, keepdims=True)
    catlin = jnp.sum(wv_ref[...], axis=1, keepdims=True)
    out_ref[...] = inter + catlin + nlin_ref[...] + bsum_ref[0, 0]


def kernel(numeric_inputs, categorical_inputs, W_linear, b_linear,
           numeric_table, cat_tables, W1, b1, W2, b2, Wout, bout):
    cat_gidx = categorical_inputs + (
        jnp.arange(N_CAT, dtype=jnp.int32) * CAT_VOCAB)[None, :]
    cat_gidx = cat_gidx.reshape(NW, CCH, CW)

    cat_flat = cat_tables.reshape(N_CAT * CAT_VOCAB, D)
    wcat = W_linear[NUM_NUM:, 0]

    scat, qcat, wv = _sc_call(cat_gidx, cat_flat, wcat)

    snum, qnum, nlin = pl.pallas_call(
        _tc_num_body,
        out_shape=(
            jax.ShapeDtypeStruct((B, D), jnp.float32),
            jax.ShapeDtypeStruct((B, D), jnp.float32),
            jax.ShapeDtypeStruct((B, 1), jnp.float32),
        ),
    )(
        numeric_inputs,
        numeric_table,
        W_linear[:NUM_NUM, 0].reshape(1, NUM_NUM),
    )

    out = pl.pallas_call(
        _tc_main_body,
        out_shape=jax.ShapeDtypeStruct((B, 1), jnp.float32),
    )(
        scat,
        qcat,
        snum,
        qnum,
        wv.reshape(B, N_CAT),
        nlin,
        W1,
        b1.reshape(1, -1),
        W2,
        b2.reshape(1, -1),
        Wout.reshape(1, -1),
        (b_linear + bout).reshape(1, 1),
    )
    return out

# --- scband reference (transcript-rebuilt; emitter-appended) ---
"""Pipeline reference for scband-model-26749056320135 (READ-ONLY COPY).

The authoritative reference and input builder live on the scoring server;
editing this copy changes nothing except your own understanding.
"""

import jax, jax.numpy as jnp
import numpy as np

B = 1024
NUM_NUM = 13
N_CAT = 26
CAT_VOCAB = 1000
D = 64
HID = [256, 128]


def setup_inputs(seed: int = 0) -> dict:
    key = jax.random.key(seed)
    ks = jax.random.split(key, 12)
    numeric_inputs = jax.random.randint(ks[0], (B, NUM_NUM), 0, NUM_NUM, dtype=jnp.int32)
    categorical_inputs = jax.random.randint(ks[1], (B, N_CAT), 0, CAT_VOCAB, dtype=jnp.int32)
    W_linear = jax.random.normal(ks[2], (NUM_NUM + N_CAT * CAT_VOCAB, 1), dtype=jnp.float32) * 0.01
    b_linear = jnp.zeros((1,), dtype=jnp.float32)
    numeric_table = jax.random.normal(ks[3], (NUM_NUM, D), dtype=jnp.float32) * 0.1
    cat_tables = jax.random.normal(ks[4], (N_CAT, CAT_VOCAB, D), dtype=jnp.float32) * 0.1
    W1 = jax.random.normal(ks[5], (D, HID[0]), dtype=jnp.float32) * 0.05
    b1 = jnp.zeros((HID[0],), dtype=jnp.float32)
    W2 = jax.random.normal(ks[6], (HID[0], HID[1]), dtype=jnp.float32) * 0.05
    b2 = jnp.zeros((HID[1],), dtype=jnp.float32)
    Wout = jax.random.normal(ks[7], (HID[1], 1), dtype=jnp.float32) * 0.05
    bout = jnp.zeros((1,), dtype=jnp.float32)
    return {
        'numeric_inputs': numeric_inputs,
        'categorical_inputs': categorical_inputs,
        'W_linear': W_linear,
        'b_linear': b_linear,
        'numeric_table': numeric_table,
        'cat_tables': cat_tables,
        'W1': W1,
        'b1': b1,
        'W2': W2,
        'b2': b2,
        'Wout': Wout,
        'bout': bout,
    }


def reference(numeric_inputs, categorical_inputs, W_linear, b_linear, numeric_table, cat_tables, W1, b1, W2, b2, Wout, bout):
    # linear part: one-hot encode each categorical field, concat with numeric, linear layer
    one_hot = jax.nn.one_hot(categorical_inputs, CAT_VOCAB, dtype=jnp.float32)  # [B, N_CAT, CAT_VOCAB]
    one_hot = one_hot.reshape(one_hot.shape[0], -1)  # [B, N_CAT*CAT_VOCAB]
    lin_in = jnp.concatenate([numeric_inputs.astype(jnp.float32), one_hot], axis=1)
    linear_out = lin_in @ W_linear + b_linear  # [B, 1]

    # interaction part: FM second-order term on embeddings
    numeric_embeds = jnp.take(numeric_table, numeric_inputs, axis=0)  # [B, NUM_NUM, D]
    field_ids = jnp.arange(N_CAT)[None, :]
    cat_embeds = cat_tables[field_ids, categorical_inputs]  # [B, N_CAT, D]
    combined = jnp.concatenate([numeric_embeds, cat_embeds], axis=1)  # [B, NUM_NUM+N_CAT, D]
    summed = jnp.sum(combined, axis=1)
    summed_sq = summed ** 2
    sq_summed = jnp.sum(combined ** 2, axis=1)
    fm = 0.5 * (summed_sq - sq_summed)  # [B, D]

    x = jax.nn.relu(fm @ W1 + b1)
    x = jax.nn.relu(x @ W2 + b2)
    inter_out = x @ Wout + bout  # [B, 1]

    return linear_out + inter_out

if __name__ == "__main__":
    import jax
    _d = setup_inputs()
    print(jax.jit(kernel)(*tuple(_d.values())))

</pallas_src>

<mosaic_0001>
#map = affine_map<(d0, d1) -> (0, 0, 0)>
#map1 = affine_map<(d0, d1) -> (0, 0)>
#map2 = affine_map<(d0, d1) -> (0)>
module attributes {stable_mosaic.version = 14 : i64} {
  func.func @_sc_body(%arg0: i32, %arg1: i32, %arg2: memref<32x8x104xi32, #tpu.memory_space<hbm>>, %arg3: memref<26000x64xf32, #tpu.memory_space<hbm>>, %arg4: memref<26000xf32, #tpu.memory_space<hbm>>, %arg5: memref<1024x64xf32, #tpu.memory_space<hbm>>, %arg6: memref<1024x64xf32, #tpu.memory_space<hbm>>, %arg7: memref<26624xf32, #tpu.memory_space<hbm>>, %arg8: memref<8x104xi32, #tpu.memory_space<vmem>>, %arg9: memref<832x64xf32, #tpu.memory_space<vmem>>, %arg10: memref<832xf32, #tpu.memory_space<vmem>>, %arg11: memref<32x64xf32, #tpu.memory_space<vmem>>, %arg12: memref<32x64xf32, #tpu.memory_space<vmem>>, %arg13: memref<!tpu.dma_semaphore, #tpu.memory_space<semaphore_mem>>) attributes {dimension_semantics = [#tpu.dimension_semantics<core_parallel>, #tpu.dimension_semantics<subcore_parallel>], iteration_bounds = array<i64: 2, 16>, scalar_prefetch = 0 : i64, scratch_operands = 6 : i64, tpu.core_type = #tpu.core_type<sc_vector_subcore>, window_params = [{transform_indices = #map}, {transform_indices = #map1}, {transform_indices = #map2}, {transform_indices = #map1}, {transform_indices = #map1}, {transform_indices = #map2}]} {
    %mul3A = arith.constant 2 : i32
    %mul3A_0 = arith.muli %arg1, %mul3A : i32
    %add3A = arith.addi %mul3A_0, %arg0 : i32
    %mul3A_1 = arith.constant 32 : i32
    %mul3A_2 = arith.muli %add3A, %mul3A_1 : i32
    "tpu.region"() ({
      %run_scoped3A = tpu.sem_alloc : memref<!tpu.dma_semaphore, #tpu.memory_space<semaphore_mem>>
      %dma_start3A_298 = arith.constant 0 : i32
      %dma_start3A_299 = arith.constant 0 : i32
      %dma_start3A_300 = tpu.memref_slice %arg2[%add3A, %dma_start3A_298, %dma_start3A_299] : memref<32x8x104xi32, #tpu.memory_space<hbm>> -> memref<1x8x104xi32, #tpu.memory_space<hbm>>
      %dma_start3A_301 = tpu.memref_squeeze %dma_start3A_300 : memref<1x8x104xi32, #tpu.memory_space<hbm>> -> memref<8x104xi32, #tpu.memory_space<hbm>>
      %dma_start3A_302 = arith.constant 0 : i32
      %dma_start3A_303 = arith.constant 0 : i32
      %dma_start3A_304 = tpu.memref_slice %arg2[%add3A, %dma_start3A_302, %dma_start3A_303] : memref<32x8x104xi32, #tpu.memory_space<hbm>> -> memref<1x8x104xi32, #tpu.memory_space<hbm>>
      %dma_start3A_305 = tpu.memref_squeeze %dma_start3A_304 : memref<1x8x104xi32, #tpu.memory_space<hbm>> -> memref<8x104xi32, #tpu.memory_space<hbm>>
      tpu.enqueue_dma source(%dma_start3A_305 : memref<8x104xi32, #tpu.memory_space<hbm>>) target(%arg8 : memref<8x104xi32, #tpu.memory_space<vmem>>) target_semaphore(%run_scoped3A : memref<!tpu.dma_semaphore, #tpu.memory_space<semaphore_mem>>)
      %dma_wait3A_306 = arith.constant 0 : i32
      %dma_wait3A_307 = arith.constant 0 : i32
      %dma_wait3A_308 = tpu.memref_slice %arg2[%add3A, %dma_wait3A_306, %dma_wait3A_307] : memref<32x8x104xi32, #tpu.memory_space<hbm>> -> memref<1x8x104xi32, #tpu.memory_space<hbm>>
      %dma_wait3A_309 = tpu.memref_squeeze %dma_wait3A_308 : memref<1x8x104xi32, #tpu.memory_space<hbm>> -> memref<8x104xi32, #tpu.memory_space<hbm>>
      %dma_wait3A_310 = arith.constant 0 : i32
      %dma_wait3A_311 = arith.constant 0 : i32
      %dma_wait3A_312 = tpu.memref_slice %arg2[%add3A, %dma_wait3A_310, %dma_wait3A_311] : memref<32x8x104xi32, #tpu.memory_space<hbm>> -> memref<1x8x104xi32, #tpu.memory_space<hbm>>
      %dma_wait3A_313 = tpu.memref_squeeze %dma_wait3A_312 : memref<1x8x104xi32, #tpu.memory_space<hbm>> -> memref<8x104xi32, #tpu.memory_space<hbm>>
      tpu.wait_dma2 semaphore(%run_scoped3A : memref<!tpu.dma_semaphore, #tpu.memory_space<semaphore_mem>>) src(%dma_wait3A_313 : memref<8x104xi32, #tpu.memory_space<hbm>>) dst(%arg8 : memref<8x104xi32, #tpu.memory_space<vmem>>)
      tpu.yield
    }) : () -> ()
    %dma_start3A = arith.constant 0 : i32
    %dma_start3A_3 = arith.constant 0 : i32
    %dma_start3A_4 = arith.constant 0 : i32
    %dma_start3A_5 = tpu.memref_slice %arg9[%dma_start3A_3, %dma_start3A_4] : memref<832x64xf32, #tpu.memory_space<vmem>> -> memref<104x64xf32, #tpu.memory_space<vmem>>
    %dma_start3A_6 = arith.constant 0 : i32
    %dma_start3A_7 = tpu.memref_slice %arg8[%dma_start3A, %dma_start3A_6] : memref<8x104xi32, #tpu.memory_space<vmem>> -> memref<1x104xi32, #tpu.memory_space<vmem>>
    %dma_start3A_8 = tpu.memref_squeeze %dma_start3A_7 : memref<1x104xi32, #tpu.memory_space<vmem>> -> memref<104xi32, #tpu.memory_space<vmem>>
    %dma_start3A_9 = arith.constant 0 : i32
    %dma_start3A_10 = arith.constant 0 : i32
    %dma_start3A_11 = tpu.memref_slice %arg3[%dma_start3A_9, %dma_start3A_10] : memref<26000x64xf32, #tpu.memory_space<hbm>> -> memref<26000x64xf32, #tpu.memory_space<hbm>>
    tpu.enqueue_indirect_dma source(%dma_start3A_11 : memref<26000x64xf32, #tpu.memory_space<hbm>>) target(%dma_start3A_5 : memref<104x64xf32, #tpu.memory_space<vmem>>) offsets(%dma_start3A_8 : memref<104xi32, #tpu.memory_space<vmem>>) semaphore(%arg13 : memref<!tpu.dma_semaphore, #tpu.memory_space<semaphore_mem>>)
    %dma_start3A_12 = arith.constant 1 : i32
    %dma_start3A_13 = arith.constant 104 : i32
    %dma_start3A_14 = arith.constant 0 : i32
    %dma_start3A_15 = tpu.memref_slice %arg9[%dma_start3A_13, %dma_start3A_14] : memref<832x64xf32, #tpu.memory_space<vmem>> -> memref<104x64xf32, #tpu.memory_space<vmem>>
    %dma_start3A_16 = arith.constant 0 : i32
    %dma_start3A_17 = tpu.memref_slice %arg8[%dma_start3A_12, %dma_start3A_16] : memref<8x104xi32, #tpu.memory_space<vmem>> -> memref<1x104xi32, #tpu.memory_space<vmem>>
    %dma_start3A_18 = tpu.memref_squeeze %dma_start3A_17 : memref<1x104xi32, #tpu.memory_space<vmem>> -> memref<104xi32, #tpu.memory_space<vmem>>
    %dma_start3A_19 = arith.constant 0 : i32
    %dma_start3A_20 = arith.constant 0 : i32
    %dma_start3A_21 = tpu.memref_slice %arg3[%dma_start3A_19, %dma_start3A_20] : memref<26000x64xf32, #tpu.memory_space<hbm>> -> memref<26000x64xf32, #tpu.memory_space<hbm>>
    tpu.enqueue_indirect_dma source(%dma_start3A_21 : memref<26000x64xf32, #tpu.memory_space<hbm>>) target(%dma_start3A_15 : memref<104x64xf32, #tpu.memory_space<vmem>>) offsets(%dma_start3A_18 : memref<104xi32, #tpu.memory_space<vmem>>) semaphore(%arg13 : memref<!tpu.dma_semaphore, #tpu.memory_space<semaphore_mem>>)
    %dma_start3A_22 = arith.constant 2 : i32
    %dma_start3A_23 = arith.constant 208 : i32
    %dma_start3A_24 = arith.constant 0 : i32
    %dma_start3A_25 = tpu.memref_slice %arg9[%dma_start3A_23, %dma_start3A_24] : memref<832x64xf32, #tpu.memory_space<vmem>> -> memref<104x64xf32, #tpu.memory_space<vmem>>
    %dma_start3A_26 = arith.constant 0 : i32
    %dma_start3A_27 = tpu.memref_slice %arg8[%dma_start3A_22, %dma_start3A_26] : memref<8x104xi32, #tpu.memory_space<vmem>> -> memref<1x104xi32, #tpu.memory_space<vmem>>
    %dma_start3A_28 = tpu.memref_squeeze %dma_start3A_27 : memref<1x104xi32, #tpu.memory_space<vmem>> -> memref<104xi32, #tpu.memory_space<vmem>>
    %dma_start3A_29 = arith.constant 0 : i32
    %dma_start3A_30 = arith.constant 0 : i32
    %dma_start3A_31 = tpu.memref_slice %arg3[%dma_start3A_29, %dma_start3A_30] : memref<26000x64xf32, #tpu.memory_space<hbm>> -> memref<26000x64xf32, #tpu.memory_space<hbm>>
    tpu.enqueue_indirect_dma source(%dma_start3A_31 : memref<26000x64xf32, #tpu.memory_space<hbm>>) target(%dma_start3A_25 : memref<104x64xf32, #tpu.memory_space<vmem>>) offsets(%dma_start3A_28 : memref<104xi32, #tpu.memory_space<vmem>>) semaphore(%arg13 : memref<!tpu.dma_semaphore, #tpu.memory_space<semaphore_mem>>)
    %dma_start3A_32 = arith.constant 3 : i32
    %dma_start3A_33 = arith.constant 312 : i32
    %dma_start3A_34 = arith.constant 0 : i32
    %dma_start3A_35 = tpu.memref_slice %arg9[%dma_start3A_33, %dma_start3A_34] : memref<832x64xf32, #tpu.memory_space<vmem>> -> memref<104x64xf32, #tpu.memory_space<vmem>>
    %dma_start3A_36 = arith.constant 0 : i32
    %dma_start3A_37 = tpu.memref_slice %arg8[%dma_start3A_32, %dma_start3A_36] : memref<8x104xi32, #tpu.memory_space<vmem>> -> memref<1x104xi32, #tpu.memory_space<vmem>>
    %dma_start3A_38 = tpu.memref_squeeze %dma_start3A_37 : memref<1x104xi32, #tpu.memory_space<vmem>> -> memref<104xi32, #tpu.memory_space<vmem>>
    %dma_start3A_39 = arith.constant 0 : i32
    %dma_start3A_40 = arith.constant 0 : i32
    %dma_start3A_41 = tpu.memref_slice %arg3[%dma_start3A_39, %dma_start3A_40] : memref<26000x64xf32, #tpu.memory_space<hbm>> -> memref<26000x64xf32, #tpu.memory_space<hbm>>
    tpu.enqueue_indirect_dma source(%dma_start3A_41 : memref<26000x64xf32, #tpu.memory_space<hbm>>) target(%dma_start3A_35 : memref<104x64xf32, #tpu.memory_space<vmem>>) offsets(%dma_start3A_38 : memref<104xi32, #tpu.memory_space<vmem>>) semaphore(%arg13 : memref<!tpu.dma_semaphore, #tpu.memory_space<semaphore_mem>>)
    %dma_start3A_42 = arith.constant 4 : i32
    %dma_start3A_43 = arith.constant 416 : i32
    %dma_start3A_44 = arith.constant 0 : i32
    %dma_start3A_45 = tpu.memref_slice %arg9[%dma_start3A_43, %dma_start3A_44] : memref<832x64xf32, #tpu.memory_space<vmem>> -> memref<104x64xf32, #tpu.memory_space<vmem>>
    %dma_start3A_46 = arith.constant 0 : i32
    %dma_start3A_47 = tpu.memref_slice %arg8[%dma_start3A_42, %dma_start3A_46] : memref<8x104xi32, #tpu.memory_space<vmem>> -> memref<1x104xi32, #tpu.memory_space<vmem>>
    %dma_start3A_48 = tpu.memref_squeeze %dma_start3A_47 : memref<1x104xi32, #tpu.memory_space<vmem>> -> memref<104xi32, #tpu.memory_space<vmem>>
    %dma_start3A_49 = arith.constant 0 : i32
    %dma_start3A_50 = arith.constant 0 : i32
    %dma_start3A_51 = tpu.memref_slice %arg3[%dma_start3A_49, %dma_start3A_50] : memref<26000x64xf32, #tpu.memory_space<hbm>> -> memref<26000x64xf32, #tpu.memory_space<hbm>>
    tpu.enqueue_indirect_dma source(%dma_start3A_51 : memref<26000x64xf32, #tpu.memory_space<hbm>>) target(%dma_start3A_45 : memref<104x64xf32, #tpu.memory_space<vmem>>) offsets(%dma_start3A_48 : memref<104xi32, #tpu.memory_space<vmem>>) semaphore(%arg13 : memref<!tpu.dma_semaphore, #tpu.memory_space<semaphore_mem>>)
    %dma_start3A_52 = arith.constant 5 : i32
    %dma_start3A_53 = arith.constant 520 : i32
    %dma_start3A_54 = arith.constant 0 : i32
    %dma_start3A_55 = tpu.memref_slice %arg9[%dma_start3A_53, %dma_start3A_54] : memref<832x64xf32, #tpu.memory_space<vmem>> -> memref<104x64xf32, #tpu.memory_space<vmem>>
    %dma_start3A_56 = arith.constant 0 : i32
    %dma_start3A_57 = tpu.memref_slice %arg8[%dma_start3A_52, %dma_start3A_56] : memref<8x104xi32, #tpu.memory_space<vmem>> -> memref<1x104xi32, #tpu.memory_space<vmem>>
    %dma_start3A_58 = tpu.memref_squeeze %dma_start3A_57 : memref<1x104xi32, #tpu.memory_space<vmem>> -> memref<104xi32, #tpu.memory_space<vmem>>
    %dma_start3A_59 = arith.constant 0 : i32
    %dma_start3A_60 = arith.constant 0 : i32
    %dma_start3A_61 = tpu.memref_slice %arg3[%dma_start3A_59, %dma_start3A_60] : memref<26000x64xf32, #tpu.memory_space<hbm>> -> memref<26000x64xf32, #tpu.memory_space<hbm>>
    tpu.enqueue_indirect_dma source(%dma_start3A_61 : memref<26000x64xf32, #tpu.memory_space<hbm>>) target(%dma_start3A_55 : memref<104x64xf32, #tpu.memory_space<vmem>>) offsets(%dma_start3A_58 : memref<104xi32, #tpu.memory_space<vmem>>) semaphore(%arg13 : memref<!tpu.dma_semaphore, #tpu.memory_space<semaphore_mem>>)
    %dma_start3A_62 = arith.constant 6 : i32
    %dma_start3A_63 = arith.constant 624 : i32
    %dma_start3A_64 = arith.constant 0 : i32
    %dma_start3A_65 = tpu.memref_slice %arg9[%dma_start3A_63, %dma_start3A_64] : memref<832x64xf32, #tpu.memory_space<vmem>> -> memref<104x64xf32, #tpu.memory_space<vmem>>
    %dma_start3A_66 = arith.constant 0 : i32
    %dma_start3A_67 = tpu.memref_slice %arg8[%dma_start3A_62, %dma_start3A_66] : memref<8x104xi32, #tpu.memory_space<vmem>> -> memref<1x104xi32, #tpu.memory_space<vmem>>
    %dma_start3A_68 = tpu.memref_squeeze %dma_start3A_67 : memref<1x104xi32, #tpu.memory_space<vmem>> -> memref<104xi32, #tpu.memory_space<vmem>>
    %dma_start3A_69 = arith.constant 0 : i32
    %dma_start3A_70 = arith.constant 0 : i32
    %dma_start3A_71 = tpu.memref_slice %arg3[%dma_start3A_69, %dma_start3A_70] : memref<26000x64xf32, #tpu.memory_space<hbm>> -> memref<26000x64xf32, #tpu.memory_space<hbm>>
    tpu.enqueue_indirect_dma source(%dma_start3A_71 : memref<26000x64xf32, #tpu.memory_space<hbm>>) target(%dma_start3A_65 : memref<104x64xf32, #tpu.memory_space<vmem>>) offsets(%dma_start3A_68 : memref<104xi32, #tpu.memory_space<vmem>>) semaphore(%arg13 : memref<!tpu.dma_semaphore, #tpu.memory_space<semaphore_mem>>)
    %dma_start3A_72 = arith.constant 7 : i32
    %dma_start3A_73 = arith.constant 728 : i32
    %dma_start3A_74 = arith.constant 0 : i32
    %dma_start3A_75 = tpu.memref_slice %arg9[%dma_start3A_73, %dma_start3A_74] : memref<832x64xf32, #tpu.memory_space<vmem>> -> memref<104x64xf32, #tpu.memory_space<vmem>>
    %dma_start3A_76 = arith.constant 0 : i32
    %dma_start3A_77 = tpu.memref_slice %arg8[%dma_start3A_72, %dma_start3A_76] : memref<8x104xi32, #tpu.memory_space<vmem>> -> memref<1x104xi32, #tpu.memory_space<vmem>>
    %dma_start3A_78 = tpu.memref_squeeze %dma_start3A_77 : memref<1x104xi32, #tpu.memory_space<vmem>> -> memref<104xi32, #tpu.memory_space<vmem>>
    %dma_start3A_79 = arith.constant 0 : i32
    %dma_start3A_80 = arith.constant 0 : i32
    %dma_start3A_81 = tpu.memref_slice %arg3[%dma_start3A_79, %dma_start3A_80] : memref<26000x64xf32, #tpu.memory_space<hbm>> -> memref<26000x64xf32, #tpu.memory_space<hbm>>
    tpu.enqueue_indirect_dma source(%dma_start3A_81 : memref<26000x64xf32, #tpu.memory_space<hbm>>) target(%dma_start3A_75 : memref<104x64xf32, #tpu.memory_space<vmem>>) offsets(%dma_start3A_78 : memref<104xi32, #tpu.memory_space<vmem>>) semaphore(%arg13 : memref<!tpu.dma_semaphore, #tpu.memory_space<semaphore_mem>>)
    %dma_start3A_82 = arith.constant 0 : i32
    %dma_start3A_83 = arith.constant 0 : i32
    %dma_start3A_84 = tpu.memref_slice %arg10[%dma_start3A_83] : memref<832xf32, #tpu.memory_space<vmem>> -> memref<104xf32, #tpu.memory_space<vmem>>
    %dma_start3A_85 = arith.constant 0 : i32
    %dma_start3A_86 = tpu.memref_slice %arg8[%dma_start3A_82, %dma_start3A_85] : memref<8x104xi32, #tpu.memory_space<vmem>> -> memref<1x104xi32, #tpu.memory_space<vmem>>
    %dma_start3A_87 = tpu.memref_squeeze %dma_start3A_86 : memref<1x104xi32, #tpu.memory_space<vmem>> -> memref<104xi32, #tpu.memory_space<vmem>>
    %dma_start3A_88 = arith.constant 0 : i32
    %dma_start3A_89 = tpu.memref_slice %arg4[%dma_start3A_88] : memref<26000xf32, #tpu.memory_space<hbm>> -> memref<26000xf32, #tpu.memory_space<hbm>>
    tpu.enqueue_indirect_dma source(%dma_start3A_89 : memref<26000xf32, #tpu.memory_space<hbm>>) target(%dma_start3A_84 : memref<104xf32, #tpu.memory_space<vmem>>) offsets(%dma_start3A_87 : memref<104xi32, #tpu.memory_space<vmem>>) semaphore(%arg13 : memref<!tpu.dma_semaphore, #tpu.memory_space<semaphore_mem>>)
    %dma_start3A_90 = arith.constant 1 : i32
    %dma_start3A_91 = arith.constant 104 : i32
    %dma_start3A_92 = tpu.memref_slice %arg10[%dma_start3A_91] : memref<832xf32, #tpu.memory_space<vmem>> -> memref<104xf32, #tpu.memory_space<vmem>>
    %dma_start3A_93 = arith.constant 0 : i32
    %dma_start3A_94 = tpu.memref_slice %arg8[%dma_start3A_90, %dma_start3A_93] : memref<8x104xi32, #tpu.memory_space<vmem>> -> memref<1x104xi32, #tpu.memory_space<vmem>>
    %dma_start3A_95 = tpu.memref_squeeze %dma_start3A_94 : memref<1x104xi32, #tpu.memory_space<vmem>> -> memref<104xi32, #tpu.memory_space<vmem>>
    %dma_start3A_96 = arith.constant 0 : i32
    %dma_start3A_97 = tpu.memref_slice %arg4[%dma_start3A_96] : memref<26000xf32, #tpu.memory_space<hbm>> -> memref<26000xf32, #tpu.memory_space<hbm>>
    tpu.enqueue_indirect_dma source(%dma_start3A_97 : memref<26000xf32, #tpu.memory_space<hbm>>) target(%dma_start3A_92 : memref<104xf32, #tpu.memory_space<vmem>>) offsets(%dma_start3A_95 : memref<104xi32, #tpu.memory_space<vmem>>) semaphore(%arg13 : memref<!tpu.dma_semaphore, #tpu.memory_space<semaphore_mem>>)
    %dma_start3A_98 = arith.constant 2 : i32
    %dma_start3A_99 = arith.constant 208 : i32
    %dma_start3A_100 = tpu.memref_slice %arg10[%dma_start3A_99] : memref<832xf32, #tpu.memory_space<vmem>> -> memref<104xf32, #tpu.memory_space<vmem>>
    %dma_start3A_101 = arith.constant 0 : i32
    %dma_start3A_102 = tpu.memref_slice %arg8[%dma_start3A_98, %dma_start3A_101] : memref<8x104xi32, #tpu.memory_space<vmem>> -> memref<1x104xi32, #tpu.memory_space<vmem>>
    %dma_start3A_103 = tpu.memref_squeeze %dma_start3A_102 : memref<1x104xi32, #tpu.memory_space<vmem>> -> memref<104xi32, #tpu.memory_space<vmem>>
    %dma_start3A_104 = arith.constant 0 : i32
    %dma_start3A_105 = tpu.memref_slice %arg4[%dma_start3A_104] : memref<26000xf32, #tpu.memory_space<hbm>> -> memref<26000xf32, #tpu.memory_space<hbm>>
    tpu.enqueue_indirect_dma source(%dma_start3A_105 : memref<26000xf32, #tpu.memory_space<hbm>>) target(%dma_start3A_100 : memref<104xf32, #tpu.memory_space<vmem>>) offsets(%dma_start3A_103 : memref<104xi32, #tpu.memory_space<vmem>>) semaphore(%arg13 : memref<!tpu.dma_semaphore, #tpu.memory_space<semaphore_mem>>)
    %dma_start3A_106 = arith.constant 3 : i32
    %dma_start3A_107 = arith.constant 312 : i32
    %dma_start3A_108 = tpu.memref_slice %arg10[%dma_start3A_107] : memref<832xf32, #tpu.memory_space<vmem>> -> memref<104xf32, #tpu.memory_space<vmem>>
    %dma_start3A_109 = arith.constant 0 : i32
    %dma_start3A_110 = tpu.memref_slice %arg8[%dma_start3A_106, %dma_start3A_109] : memref<8x104xi32, #tpu.memory_space<vmem>> -> memref<1x104xi32, #tpu.memory_space<vmem>>
    %dma_start3A_111 = tpu.memref_squeeze %dma_start3A_110 : memref<1x104xi32, #tpu.memory_space<vmem>> -> memref<104xi32, #tpu.memory_space<vmem>>
    %dma_start3A_112 = arith.constant 0 : i32
    %dma_start3A_113 = tpu.memref_slice %arg4[%dma_start3A_112] : memref<26000xf32, #tpu.memory_space<hbm>> -> memref<26000xf32, #tpu.memory_space<hbm>>
    tpu.enqueue_indirect_dma source(%dma_start3A_113 : memref<26000xf32, #tpu.memory_space<hbm>>) target(%dma_start3A_108 : memref<104xf32, #tpu.memory_space<vmem>>) offsets(%dma_start3A_111 : memref<104xi32, #tpu.memory_space<vmem>>) semaphore(%arg13 : memref<!tpu.dma_semaphore, #tpu.memory_space<semaphore_mem>>)
    %dma_start3A_114 = arith.constant 4 : i32
    %dma_start3A_115 = arith.constant 416 : i32
    %dma_start3A_116 = tpu.memref_slice %arg10[%dma_start3A_115] : memref<832xf32, #tpu.memory_space<vmem>> -> memref<104xf32, #tpu.memory_space<vmem>>
    %dma_start3A_117 = arith.constant 0 : i32
    %dma_start3A_118 = tpu.memref_slice %arg8[%dma_start3A_114, %dma_start3A_117] : memref<8x104xi32, #tpu.memory_space<vmem>> -> memref<1x104xi32, #tpu.memory_space<vmem>>
    %dma_start3A_119 = tpu.memref_squeeze %dma_start3A_118 : memref<1x104xi32, #tpu.memory_space<vmem>> -> memref<104xi32, #tpu.memory_space<vmem>>
    %dma_start3A_120 = arith.constant 0 : i32
    %dma_start3A_121 = tpu.memref_slice %arg4[%dma_start3A_120] : memref<26000xf32, #tpu.memory_space<hbm>> -> memref<26000xf32, #tpu.memory_space<hbm>>
    tpu.enqueue_indirect_dma source(%dma_start3A_121 : memref<26000xf32, #tpu.memory_space<hbm>>) target(%dma_start3A_116 : memref<104xf32, #tpu.memory_space<vmem>>) offsets(%dma_start3A_119 : memref<104xi32, #tpu.memory_space<vmem>>) semaphore(%arg13 : memref<!tpu.dma_semaphore, #tpu.memory_space<semaphore_mem>>)
    %dma_start3A_122 = arith.constant 5 : i32
    %dma_start3A_123 = arith.constant 520 : i32
    %dma_start3A_124 = tpu.memref_slice %arg10[%dma_start3A_123] : memref<832xf32, #tpu.memory_space<vmem>> -> memref<104xf32, #tpu.memory_space<vmem>>
    %dma_start3A_125 = arith.constant 0 : i32
    %dma_start3A_126 = tpu.memref_slice %arg8[%dma_start3A_122, %dma_start3A_125] : memref<8x104xi32, #tpu.memory_space<vmem>> -> memref<1x104xi32, #tpu.memory_space<vmem>>
    %dma_start3A_127 = tpu.memref_squeeze %dma_start3A_126 : memref<1x104xi32, #tpu.memory_space<vmem>> -> memref<104xi32, #tpu.memory_space<vmem>>
    %dma_start3A_128 = arith.constant 0 : i32
    %dma_start3A_129 = tpu.memref_slice %arg4[%dma_start3A_128] : memref<26000xf32, #tpu.memory_space<hbm>> -> memref<26000xf32, #tpu.memory_space<hbm>>
    tpu.enqueue_indirect_dma source(%dma_start3A_129 : memref<26000xf32, #tpu.memory_space<hbm>>) target(%dma_start3A_124 : memref<104xf32, #tpu.memory_space<vmem>>) offsets(%dma_start3A_127 : memref<104xi32, #tpu.memory_space<vmem>>) semaphore(%arg13 : memref<!tpu.dma_semaphore, #tpu.memory_space<semaphore_mem>>)
    %dma_start3A_130 = arith.constant 6 : i32
    %dma_start3A_131 = arith.constant 624 : i32
    %dma_start3A_132 = tpu.memref_slice %arg10[%dma_start3A_131] : memref<832xf32, #tpu.memory_space<vmem>> -> memref<104xf32, #tpu.memory_space<vmem>>
    %dma_start3A_133 = arith.constant 0 : i32
    %dma_start3A_134 = tpu.memref_slice %arg8[%dma_start3A_130, %dma_start3A_133] : memref<8x104xi32, #tpu.memory_space<vmem>> -> memref<1x104xi32, #tpu.memory_space<vmem>>
    %dma_start3A_135 = tpu.memref_squeeze %dma_start3A_134 : memref<1x104xi32, #tpu.memory_space<vmem>> -> memref<104xi32, #tpu.memory_space<vmem>>
    %dma_start3A_136 = arith.constant 0 : i32
    %dma_start3A_137 = tpu.memref_slice %arg4[%dma_start3A_136] : memref<26000xf32, #tpu.memory_space<hbm>> -> memref<26000xf32, #tpu.memory_space<hbm>>
    tpu.enqueue_indirect_dma source(%dma_start3A_137 : memref<26000xf32, #tpu.memory_space<hbm>>) target(%dma_start3A_132 : memref<104xf32, #tpu.memory_space<vmem>>) offsets(%dma_start3A_135 : memref<104xi32, #tpu.memory_space<vmem>>) semaphore(%arg13 : memref<!tpu.dma_semaphore, #tpu.memory_space<semaphore_mem>>)
    %dma_start3A_138 = arith.constant 7 : i32
    %dma_start3A_139 = arith.constant 728 : i32
    %dma_start3A_140 = tpu.memref_slice %arg10[%dma_start3A_139] : memref<832xf32, #tpu.memory_space<vmem>> -> memref<104xf32, #tpu.memory_space<vmem>>
    %dma_start3A_141 = arith.constant 0 : i32
    %dma_start3A_142 = tpu.memref_slice %arg8[%dma_start3A_138, %dma_start3A_141] : memref<8x104xi32, #tpu.memory_space<vmem>> -> memref<1x104xi32, #tpu.memory_space<vmem>>
    %dma_start3A_143 = tpu.memref_squeeze %dma_start3A_142 : memref<1x104xi32, #tpu.memory_space<vmem>> -> memref<104xi32, #tpu.memory_space<vmem>>
    %dma_start3A_144 = arith.constant 0 : i32
    %dma_start3A_145 = tpu.memref_slice %arg4[%dma_start3A_144] : memref<26000xf32, #tpu.memory_space<hbm>> -> memref<26000xf32, #tpu.memory_space<hbm>>
    tpu.enqueue_indirect_dma source(%dma_start3A_145 : memref<26000xf32, #tpu.memory_space<hbm>>) target(%dma_start3A_140 : memref<104xf32, #tpu.memory_space<vmem>>) offsets(%dma_start3A_143 : memref<104xi32, #tpu.memory_space<vmem>>) semaphore(%arg13 : memref<!tpu.dma_semaphore, #tpu.memory_space<semaphore_mem>>)
    %dma_wait3A = arith.constant 0 : i32
    %dma_wait3A_146 = arith.constant 0 : i32
    %dma_wait3A_147 = arith.constant 0 : i32
    %dma_wait3A_148 = tpu.memref_slice %arg9[%dma_wait3A_146, %dma_wait3A_147] : memref<832x64xf32, #tpu.memory_space<vmem>> -> memref<104x64xf32, #tpu.memory_space<vmem>>
    %dma_wait3A_149 = arith.constant 0 : i32
    %dma_wait3A_150 = tpu.memref_slice %arg8[%dma_wait3A, %dma_wait3A_149] : memref<8x104xi32, #tpu.memory_space<vmem>> -> memref<1x104xi32, #tpu.memory_space<vmem>>
    %dma_wait3A_151 = tpu.memref_squeeze %dma_wait3A_150 : memref<1x104xi32, #tpu.memory_space<vmem>> -> memref<104xi32, #tpu.memory_space<vmem>>
    %dma_wait3A_152 = arith.constant 0 : i32
    %dma_wait3A_153 = arith.constant 0 : i32
    %dma_wait3A_154 = tpu.memref_slice %arg3[%dma_wait3A_152, %dma_wait3A_153] : memref<26000x64xf32, #tpu.memory_space<hbm>> -> memref<26000x64xf32, #tpu.memory_space<hbm>>
    tpu.wait_indirect_dma semaphore(%arg13 : memref<!tpu.dma_semaphore, #tpu.memory_space<semaphore_mem>>) src(%dma_wait3A_154 : memref<26000x64xf32, #tpu.memory_space<hbm>>) dst(%dma_wait3A_148 : memref<104x64xf32, #tpu.memory_space<vmem>>)
    %dma_wait3A_155 = arith.constant 1 : i32
    %dma_wait3A_156 = arith.constant 104 : i32
    %dma_wait3A_157 = arith.constant 0 : i32
    %dma_wait3A_158 = tpu.memref_slice %arg9[%dma_wait3A_156, %dma_wait3A_157] : memref<832x64xf32, #tpu.memory_space<vmem>> -> memref<104x64xf32, #tpu.memory_space<vmem>>
    %dma_wait3A_159 = arith.constant 0 : i32
    %dma_wait3A_160 = tpu.memref_slice %arg8[%dma_wait3A_155, %dma_wait3A_159] : memref<8x104xi32, #tpu.memory_space<vmem>> -> memref<1x104xi32, #tpu.memory_space<vmem>>
    %dma_wait3A_161 = tpu.memref_squeeze %dma_wait3A_160 : memref<1x104xi32, #tpu.memory_space<vmem>> -> memref<104xi32, #tpu.memory_space<vmem>>
    %dma_wait3A_162 = arith.constant 0 : i32
    %dma_wait3A_163 = arith.constant 0 : i32
    %dma_wait3A_164 = tpu.memref_slice %arg3[%dma_wait3A_162, %dma_wait3A_163] : memref<26000x64xf32, #tpu.memory_space<hbm>> -> memref<26000x64xf32, #tpu.memory_space<hbm>>
    tpu.wait_indirect_dma semaphore(%arg13 : memref<!tpu.dma_semaphore, #tpu.memory_space<semaphore_mem>>) src(%dma_wait3A_164 : memref<26000x64xf32, #tpu.memory_space<hbm>>) dst(%dma_wait3A_158 : memref<104x64xf32, #tpu.memory_space<vmem>>)
    %dma_wait3A_165 = arith.constant 2 : i32
    %dma_wait3A_166 = arith.constant 208 : i32
    %dma_wait3A_167 = arith.constant 0 : i32
    %dma_wait3A_168 = tpu.memref_slice %arg9[%dma_wait3A_166, %dma_wait3A_167] : memref<832x64xf32, #tpu.memory_space<vmem>> -> memref<104x64xf32, #tpu.memory_space<vmem>>
    %dma_wait3A_169 = arith.constant 0 : i32
    %dma_wait3A_170 = tpu.memref_slice %arg8[%dma_wait3A_165, %dma_wait3A_169] : memref<8x104xi32, #tpu.memory_space<vmem>> -> memref<1x104xi32, #tpu.memory_space<vmem>>
    %dma_wait3A_171 = tpu.memref_squeeze %dma_wait3A_170 : memref<1x104xi32, #tpu.memory_space<vmem>> -> memref<104xi32, #tpu.memory_space<vmem>>
    %dma_wait3A_172 = arith.constant 0 : i32
    %dma_wait3A_173 = arith.constant 0 : i32
    %dma_wait3A_174 = tpu.memref_slice %arg3[%dma_wait3A_172, %dma_wait3A_173] : memref<26000x64xf32, #tpu.memory_space<hbm>> -> memref<26000x64xf32, #tpu.memory_space<hbm>>
    tpu.wait_indirect_dma semaphore(%arg13 : memref<!tpu.dma_semaphore, #tpu.memory_space<semaphore_mem>>) src(%dma_wait3A_174 : memref<26000x64xf32, #tpu.memory_space<hbm>>) dst(%dma_wait3A_168 : memref<104x64xf32, #tpu.memory_space<vmem>>)
    %dma_wait3A_175 = arith.constant 3 : i32
    %dma_wait3A_176 = arith.constant 312 : i32
    %dma_wait3A_177 = arith.constant 0 : i32
    %dma_wait3A_178 = tpu.memref_slice %arg9[%dma_wait3A_176, %dma_wait3A_177] : memref<832x64xf32, #tpu.memory_space<vmem>> -> memref<104x64xf32, #tpu.memory_space<vmem>>
    %dma_wait3A_179 = arith.constant 0 : i32
    %dma_wait3A_180 = tpu.memref_slice %arg8[%dma_wait3A_175, %dma_wait3A_179] : memref<8x104xi32, #tpu.memory_space<vmem>> -> memref<1x104xi32, #tpu.memory_space<vmem>>
    %dma_wait3A_181 = tpu.memref_squeeze %dma_wait3A_180 : memref<1x104xi32, #tpu.memory_space<vmem>> -> memref<104xi32, #tpu.memory_space<vmem>>
    %dma_wait3A_182 = arith.constant 0 : i32
    %dma_wait3A_183 = arith.constant 0 : i32
    %dma_wait3A_184 = tpu.memref_slice %arg3[%dma_wait3A_182, %dma_wait3A_183] : memref<26000x64xf32, #tpu.memory_space<hbm>> -> memref<26000x64xf32, #tpu.memory_space<hbm>>
    tpu.wait_indirect_dma semaphore(%arg13 : memref<!tpu.dma_semaphore, #tpu.memory_space<semaphore_mem>>) src(%dma_wait3A_184 : memref<26000x64xf32, #tpu.memory_space<hbm>>) dst(%dma_wait3A_178 : memref<104x64xf32, #tpu.memory_space<vmem>>)
    %dma_wait3A_185 = arith.constant 4 : i32
    %dma_wait3A_186 = arith.constant 416 : i32
    %dma_wait3A_187 = arith.constant 0 : i32
    %dma_wait3A_188 = tpu.memref_slice %arg9[%dma_wait3A_186, %dma_wait3A_187] : memref<832x64xf32, #tpu.memory_space<vmem>> -> memref<104x64xf32, #tpu.memory_space<vmem>>
    %dma_wait3A_189 = arith.constant 0 : i32
    %dma_wait3A_190 = tpu.memref_slice %arg8[%dma_wait3A_185, %dma_wait3A_189] : memref<8x104xi32, #tpu.memory_space<vmem>> -> memref<1x104xi32, #tpu.memory_space<vmem>>
    %dma_wait3A_191 = tpu.memref_squeeze %dma_wait3A_190 : memref<1x104xi32, #tpu.memory_space<vmem>> -> memref<104xi32, #tpu.memory_space<vmem>>
    %dma_wait3A_192 = arith.constant 0 : i32
    %dma_wait3A_193 = arith.constant 0 : i32
    %dma_wait3A_194 = tpu.memref_slice %arg3[%dma_wait3A_192, %dma_wait3A_193] : memref<26000x64xf32, #tpu.memory_space<hbm>> -> memref<26000x64xf32, #tpu.memory_space<hbm>>
    tpu.wait_indirect_dma semaphore(%arg13 : memref<!tpu.dma_semaphore, #tpu.memory_space<semaphore_mem>>) src(%dma_wait3A_194 : memref<26000x64xf32, #tpu.memory_space<hbm>>) dst(%dma_wait3A_188 : memref<104x64xf32, #tpu.memory_space<vmem>>)
    %dma_wait3A_195 = arith.constant 5 : i32
    %dma_wait3A_196 = arith.constant 520 : i32
    %dma_wait3A_197 = arith.constant 0 : i32
    %dma_wait3A_198 = tpu.memref_slice %arg9[%dma_wait3A_196, %dma_wait3A_197] : memref<832x64xf32, #tpu.memory_space<vmem>> -> memref<104x64xf32, #tpu.memory_space<vmem>>
    %dma_wait3A_199 = arith.constant 0 : i32
    %dma_wait3A_200 = tpu.memref_slice %arg8[%dma_wait3A_195, %dma_wait3A_199] : memref<8x104xi32, #tpu.memory_space<vmem>> -> memref<1x104xi32, #tpu.memory_space<vmem>>
    %dma_wait3A_201 = tpu.memref_squeeze %dma_wait3A_200 : memref<1x104xi32, #tpu.memory_space<vmem>> -> memref<104xi32, #tpu.memory_space<vmem>>
    %dma_wait3A_202 = arith.constant 0 : i32
    %dma_wait3A_203 = arith.constant 0 : i32
    %dma_wait3A_204 = tpu.memref_slice %arg3[%dma_wait3A_202, %dma_wait3A_203] : memref<26000x64xf32, #tpu.memory_space<hbm>> -> memref<26000x64xf32, #tpu.memory_space<hbm>>
    tpu.wait_indirect_dma semaphore(%arg13 : memref<!tpu.dma_semaphore, #tpu.memory_space<semaphore_mem>>) src(%dma_wait3A_204 : memref<26000x64xf32, #tpu.memory_space<hbm>>) dst(%dma_wait3A_198 : memref<104x64xf32, #tpu.memory_space<vmem>>)
    %dma_wait3A_205 = arith.constant 6 : i32
    %dma_wait3A_206 = arith.constant 624 : i32
    %dma_wait3A_207 = arith.constant 0 : i32
    %dma_wait3A_208 = tpu.memref_slice %arg9[%dma_wait3A_206, %dma_wait3A_207] : memref<832x64xf32, #tpu.memory_space<vmem>> -> memref<104x64xf32, #tpu.memory_space<vmem>>
    %dma_wait3A_209 = arith.constant 0 : i32
    %dma_wait3A_210 = tpu.memref_slice %arg8[%dma_wait3A_205, %dma_wait3A_209] : memref<8x104xi32, #tpu.memory_space<vmem>> -> memref<1x104xi32, #tpu.memory_space<vmem>>
    %dma_wait3A_211 = tpu.memref_squeeze %dma_wait3A_210 : memref<1x104xi32, #tpu.memory_space<vmem>> -> memref<104xi32, #tpu.memory_space<vmem>>
    %dma_wait3A_212 = arith.constant 0 : i32
    %dma_wait3A_213 = arith.constant 0 : i32
    %dma_wait3A_214 = tpu.memref_slice %arg3[%dma_wait3A_212, %dma_wait3A_213] : memref<26000x64xf32, #tpu.memory_space<hbm>> -> memref<26000x64xf32, #tpu.memory_space<hbm>>
    tpu.wait_indirect_dma semaphore(%arg13 : memref<!tpu.dma_semaphore, #tpu.memory_space<semaphore_mem>>) src(%dma_wait3A_214 : memref<26000x64xf32, #tpu.memory_space<hbm>>) dst(%dma_wait3A_208 : memref<104x64xf32, #tpu.memory_space<vmem>>)
    %dma_wait3A_215 = arith.constant 7 : i32
    %dma_wait3A_216 = arith.constant 728 : i32
    %dma_wait3A_217 = arith.constant 0 : i32
    %dma_wait3A_218 = tpu.memref_slice %arg9[%dma_wait3A_216, %dma_wait3A_217] : memref<832x64xf32, #tpu.memory_space<vmem>> -> memref<104x64xf32, #tpu.memory_space<vmem>>
    %dma_wait3A_219 = arith.constant 0 : i32
    %dma_wait3A_220 = tpu.memref_slice %arg8[%dma_wait3A_215, %dma_wait3A_219] : memref<8x104xi32, #tpu.memory_space<vmem>> -> memref<1x104xi32, #tpu.memory_space<vmem>>
    %dma_wait3A_221 = tpu.memref_squeeze %dma_wait3A_220 : memref<1x104xi32, #tpu.memory_space<vmem>> -> memref<104xi32, #tpu.memory_space<vmem>>
    %dma_wait3A_222 = arith.constant 0 : i32
    %dma_wait3A_223 = arith.constant 0 : i32
    %dma_wait3A_224 = tpu.memref_slice %arg3[%dma_wait3A_222, %dma_wait3A_223] : memref<26000x64xf32, #tpu.memory_space<hbm>> -> memref<26000x64xf32, #tpu.memory_space<hbm>>
    tpu.wait_indirect_dma semaphore(%arg13 : memref<!tpu.dma_semaphore, #tpu.memory_space<semaphore_mem>>) src(%dma_wait3A_224 : memref<26000x64xf32, #tpu.memory_space<hbm>>) dst(%dma_wait3A_218 : memref<104x64xf32, #tpu.memory_space<vmem>>)
    %dma_wait3A_225 = arith.constant 0 : i32
    %dma_wait3A_226 = arith.constant 0 : i32
    %dma_wait3A_227 = tpu.memref_slice %arg10[%dma_wait3A_226] : memref<832xf32, #tpu.memory_space<vmem>> -> memref<104xf32, #tpu.memory_space<vmem>>
    %dma_wait3A_228 = arith.constant 0 : i32
    %dma_wait3A_229 = tpu.memref_slice %arg8[%dma_wait3A_225, %dma_wait3A_228] : memref<8x104xi32, #tpu.memory_space<vmem>> -> memref<1x104xi32, #tpu.memory_space<vmem>>
    %dma_wait3A_230 = tpu.memref_squeeze %dma_wait3A_229 : memref<1x104xi32, #tpu.memory_space<vmem>> -> memref<104xi32, #tpu.memory_space<vmem>>
    %dma_wait3A_231 = arith.constant 0 : i32
    %dma_wait3A_232 = tpu.memref_slice %arg4[%dma_wait3A_231] : memref<26000xf32, #tpu.memory_space<hbm>> -> memref<26000xf32, #tpu.memory_space<hbm>>
    tpu.wait_indirect_dma semaphore(%arg13 : memref<!tpu.dma_semaphore, #tpu.memory_space<semaphore_mem>>) src(%dma_wait3A_232 : memref<26000xf32, #tpu.memory_space<hbm>>) dst(%dma_wait3A_227 : memref<104xf32, #tpu.memory_space<vmem>>)
    %dma_wait3A_233 = arith.constant 1 : i32
    %dma_wait3A_234 = arith.constant 104 : i32
    %dma_wait3A_235 = tpu.memref_slice %arg10[%dma_wait3A_234] : memref<832xf32, #tpu.memory_space<vmem>> -> memref<104xf32, #tpu.memory_space<vmem>>
    %dma_wait3A_236 = arith.constant 0 : i32
    %dma_wait3A_237 = tpu.memref_slice %arg8[%dma_wait3A_233, %dma_wait3A_236] : memref<8x104xi32, #tpu.memory_space<vmem>> -> memref<1x104xi32, #tpu.memory_space<vmem>>
    %dma_wait3A_238 = tpu.memref_squeeze %dma_wait3A_237 : memref<1x104xi32, #tpu.memory_space<vmem>> -> memref<104xi32, #tpu.memory_space<vmem>>
    %dma_wait3A_239 = arith.constant 0 : i32
    %dma_wait3A_240 = tpu.memref_slice %arg4[%dma_wait3A_239] : memref<26000xf32, #tpu.memory_space<hbm>> -> memref<26000xf32, #tpu.memory_space<hbm>>
    tpu.wait_indirect_dma semaphore(%arg13 : memref<!tpu.dma_semaphore, #tpu.memory_space<semaphore_mem>>) src(%dma_wait3A_240 : memref<26000xf32, #tpu.memory_space<hbm>>) dst(%dma_wait3A_235 : memref<104xf32, #tpu.memory_space<vmem>>)
    %dma_wait3A_241 = arith.constant 2 : i32
    %dma_wait3A_242 = arith.constant 208 : i32
    %dma_wait3A_243 = tpu.memref_slice %arg10[%dma_wait3A_242] : memref<832xf32, #tpu.memory_space<vmem>> -> memref<104xf32, #tpu.memory_space<vmem>>
    %dma_wait3A_244 = arith.constant 0 : i32
    %dma_wait3A_245 = tpu.memref_slice %arg8[%dma_wait3A_241, %dma_wait3A_244] : memref<8x104xi32, #tpu.memory_space<vmem>> -> memref<1x104xi32, #tpu.memory_space<vmem>>
    %dma_wait3A_246 = tpu.memref_squeeze %dma_wait3A_245 : memref<1x104xi32, #tpu.memory_space<vmem>> -> memref<104xi32, #tpu.memory_space<vmem>>
    %dma_wait3A_247 = arith.constant 0 : i32
    %dma_wait3A_248 = tpu.memref_slice %arg4[%dma_wait3A_247] : memref<26000xf32, #tpu.memory_space<hbm>> -> memref<26000xf32, #tpu.memory_space<hbm>>
    tpu.wait_indirect_dma semaphore(%arg13 : memref<!tpu.dma_semaphore, #tpu.memory_space<semaphore_mem>>) src(%dma_wait3A_248 : memref<26000xf32, #tpu.memory_space<hbm>>) dst(%dma_wait3A_243 : memref<104xf32, #tpu.memory_space<vmem>>)
    %dma_wait3A_249 = arith.constant 3 : i32
    %dma_wait3A_250 = arith.constant 312 : i32
    %dma_wait3A_251 = tpu.memref_slice %arg10[%dma_wait3A_250] : memref<832xf32, #tpu.memory_space<vmem>> -> memref<104xf32, #tpu.memory_space<vmem>>
    %dma_wait3A_252 = arith.constant 0 : i32
    %dma_wait3A_253 = tpu.memref_slice %arg8[%dma_wait3A_249, %dma_wait3A_252] : memref<8x104xi32, #tpu.memory_space<vmem>> -> memref<1x104xi32, #tpu.memory_space<vmem>>
    %dma_wait3A_254 = tpu.memref_squeeze %dma_wait3A_253 : memref<1x104xi32, #tpu.memory_space<vmem>> -> memref<104xi32, #tpu.memory_space<vmem>>
    %dma_wait3A_255 = arith.constant 0 : i32
    %dma_wait3A_256 = tpu.memref_slice %arg4[%dma_wait3A_255] : memref<26000xf32, #tpu.memory_space<hbm>> -> memref<26000xf32, #tpu.memory_space<hbm>>
    tpu.wait_indirect_dma semaphore(%arg13 : memref<!tpu.dma_semaphore, #tpu.memory_space<semaphore_mem>>) src(%dma_wait3A_256 : memref<26000xf32, #tpu.memory_space<hbm>>) dst(%dma_wait3A_251 : memref<104xf32, #tpu.memory_space<vmem>>)
    %dma_wait3A_257 = arith.constant 4 : i32
    %dma_wait3A_258 = arith.constant 416 : i32
    %dma_wait3A_259 = tpu.memref_slice %arg10[%dma_wait3A_258] : memref<832xf32, #tpu.memory_space<vmem>> -> memref<104xf32, #tpu.memory_space<vmem>>
    %dma_wait3A_260 = arith.constant 0 : i32
    %dma_wait3A_261 = tpu.memref_slice %arg8[%dma_wait3A_257, %dma_wait3A_260] : memref<8x104xi32, #tpu.memory_space<vmem>> -> memref<1x104xi32, #tpu.memory_space<vmem>>
    %dma_wait3A_262 = tpu.memref_squeeze %dma_wait3A_261 : memref<1x104xi32, #tpu.memory_space<vmem>> -> memref<104xi32, #tpu.memory_space<vmem>>
    %dma_wait3A_263 = arith.constant 0 : i32
    %dma_wait3A_264 = tpu.memref_slice %arg4[%dma_wait3A_263] : memref<26000xf32, #tpu.memory_space<hbm>> -> memref<26000xf32, #tpu.memory_space<hbm>>
    tpu.wait_indirect_dma semaphore(%arg13 : memref<!tpu.dma_semaphore, #tpu.memory_space<semaphore_mem>>) src(%dma_wait3A_264 : memref<26000xf32, #tpu.memory_space<hbm>>) dst(%dma_wait3A_259 : memref<104xf32, #tpu.memory_space<vmem>>)
    %dma_wait3A_265 = arith.constant 5 : i32
    %dma_wait3A_266 = arith.constant 520 : i32
    %dma_wait3A_267 = tpu.memref_slice %arg10[%dma_wait3A_266] : memref<832xf32, #tpu.memory_space<vmem>> -> memref<104xf32, #tpu.memory_space<vmem>>
    %dma_wait3A_268 = arith.constant 0 : i32
    %dma_wait3A_269 = tpu.memref_slice %arg8[%dma_wait3A_265, %dma_wait3A_268] : memref<8x104xi32, #tpu.memory_space<vmem>> -> memref<1x104xi32, #tpu.memory_space<vmem>>
    %dma_wait3A_270 = tpu.memref_squeeze %dma_wait3A_269 : memref<1x104xi32, #tpu.memory_space<vmem>> -> memref<104xi32, #tpu.memory_space<vmem>>
    %dma_wait3A_271 = arith.constant 0 : i32
    %dma_wait3A_272 = tpu.memref_slice %arg4[%dma_wait3A_271] : memref<26000xf32, #tpu.memory_space<hbm>> -> memref<26000xf32, #tpu.memory_space<hbm>>
    tpu.wait_indirect_dma semaphore(%arg13 : memref<!tpu.dma_semaphore, #tpu.memory_space<semaphore_mem>>) src(%dma_wait3A_272 : memref<26000xf32, #tpu.memory_space<hbm>>) dst(%dma_wait3A_267 : memref<104xf32, #tpu.memory_space<vmem>>)
    %dma_wait3A_273 = arith.constant 6 : i32
    %dma_wait3A_274 = arith.constant 624 : i32
    %dma_wait3A_275 = tpu.memref_slice %arg10[%dma_wait3A_274] : memref<832xf32, #tpu.memory_space<vmem>> -> memref<104xf32, #tpu.memory_space<vmem>>
    %dma_wait3A_276 = arith.constant 0 : i32
    %dma_wait3A_277 = tpu.memref_slice %arg8[%dma_wait3A_273, %dma_wait3A_276] : memref<8x104xi32, #tpu.memory_space<vmem>> -> memref<1x104xi32, #tpu.memory_space<vmem>>
    %dma_wait3A_278 = tpu.memref_squeeze %dma_wait3A_277 : memref<1x104xi32, #tpu.memory_space<vmem>> -> memref<104xi32, #tpu.memory_space<vmem>>
    %dma_wait3A_279 = arith.constant 0 : i32
    %dma_wait3A_280 = tpu.memref_slice %arg4[%dma_wait3A_279] : memref<26000xf32, #tpu.memory_space<hbm>> -> memref<26000xf32, #tpu.memory_space<hbm>>
    tpu.wait_indirect_dma semaphore(%arg13 : memref<!tpu.dma_semaphore, #tpu.memory_space<semaphore_mem>>) src(%dma_wait3A_280 : memref<26000xf32, #tpu.memory_space<hbm>>) dst(%dma_wait3A_275 : memref<104xf32, #tpu.memory_space<vmem>>)
    %dma_wait3A_281 = arith.constant 7 : i32
    %dma_wait3A_282 = arith.constant 728 : i32
    %dma_wait3A_283 = tpu.memref_slice %arg10[%dma_wait3A_282] : memref<832xf32, #tpu.memory_space<vmem>> -> memref<104xf32, #tpu.memory_space<vmem>>
    %dma_wait3A_284 = arith.constant 0 : i32
    %dma_wait3A_285 = tpu.memref_slice %arg8[%dma_wait3A_281, %dma_wait3A_284] : memref<8x104xi32, #tpu.memory_space<vmem>> -> memref<1x104xi32, #tpu.memory_space<vmem>>
    %dma_wait3A_286 = tpu.memref_squeeze %dma_wait3A_285 : memref<1x104xi32, #tpu.memory_space<vmem>> -> memref<104xi32, #tpu.memory_space<vmem>>
    %dma_wait3A_287 = arith.constant 0 : i32
    %dma_wait3A_288 = tpu.memref_slice %arg4[%dma_wait3A_287] : memref<26000xf32, #tpu.memory_space<hbm>> -> memref<26000xf32, #tpu.memory_space<hbm>>
    tpu.wait_indirect_dma semaphore(%arg13 : memref<!tpu.dma_semaphore, #tpu.memory_space<semaphore_mem>>) src(%dma_wait3A_288 : memref<26000xf32, #tpu.memory_space<hbm>>) dst(%dma_wait3A_283 : memref<104xf32, #tpu.memory_space<vmem>>)
    %mul3A_289 = arith.constant 832 : i32
    %mul3A_290 = arith.muli %add3A, %mul3A_289 : i32
    "tpu.region"() ({
      %run_scoped3A = tpu.sem_alloc : memref<!tpu.dma_semaphore, #tpu.memory_space<semaphore_mem>>
      %dma_start3A_298 = tpu.memref_slice %arg7[%mul3A_290] : memref<26624xf32, #tpu.memory_space<hbm>> -> memref<832xf32, #tpu.memory_space<hbm>>
      %dma_start3A_299 = tpu.memref_slice %arg7[%mul3A_290] : memref<26624xf32, #tpu.memory_space<hbm>> -> memref<832xf32, #tpu.memory_space<hbm>>
      tpu.enqueue_dma source(%arg10 : memref<832xf32, #tpu.memory_space<vmem>>) target(%dma_start3A_299 : memref<832xf32, #tpu.memory_space<hbm>>) target_semaphore(%run_scoped3A : memref<!tpu.dma_semaphore, #tpu.memory_space<semaphore_mem>>)
      %dma_wait3A_300 = tpu.memref_slice %arg7[%mul3A_290] : memref<26624xf32, #tpu.memory_space<hbm>> -> memref<832xf32, #tpu.memory_space<hbm>>
      %dma_wait3A_301 = tpu.memref_slice %arg7[%mul3A_290] : memref<26624xf32, #tpu.memory_space<hbm>> -> memref<832xf32, #tpu.memory_space<hbm>>
      tpu.wait_dma2 semaphore(%run_scoped3A : memref<!tpu.dma_semaphore, #tpu.memory_space<semaphore_mem>>) src(%arg10 : memref<832xf32, #tpu.memory_space<vmem>>) dst(%dma_wait3A_301 : memref<832xf32, #tpu.memory_space<hbm>>)
      tpu.yield
    }) : () -> ()
    %broadcast_in_dim3A = arith.constant 0.000000e+00 : f32
    %broadcast_in_dim3A_291 = vector.broadcast %broadcast_in_dim3A : f32 to vector<16xf32>
    %scan3A = arith.constant 0 : i32
    %scan3A_292 = arith.constant 0 : i32
    %scan3A_293 = arith.constant 32 : i32
    %scan3A_294 = arith.addi %scan3A_292, %scan3A_293 : i32
    %scan3A_295 = arith.constant 1 : i32
    %scan3A_296 = scf.for %scan3A_298 = %scan3A_292 to %scan3A_294 step %scan3A_295 iter_args(%scan3A_299 = %scan3A) -> (i32)  : i32 {
      %mul3A_300 = arith.constant 26 : i32
      %mul3A_301 = arith.muli %scan3A_298, %mul3A_300 : i32
      %add3A_302 = arith.constant 0 : i32
      %add3A_303 = arith.addi %mul3A_301, %add3A_302 : i32
      %get3A = arith.index_cast %add3A_303 : i32 to index
      %get3A_304 = arith.constant 0 : index
      %get3A_305 = tpu.vector_load %arg9[%get3A, %get3A_304] {strides = array<i32>} : memref<832x64xf32, #tpu.memory_space<vmem>>, vector<1x16xf32>,
      %get3A_306 = vector.shape_cast %get3A_305 : vector<1x16xf32> to vector<16xf32>
      %add3A_307 = arith.addf %broadcast_in_dim3A_291, %get3A_306 : vector<16xf32>
      %mul3A_308 = arith.mulf %get3A_306, %get3A_306 : vector<16xf32>
      %add3A_309 = arith.addf %broadcast_in_dim3A_291, %mul3A_308 : vector<16xf32>
      %add3A_310 = arith.constant 0 : i32
      %add3A_311 = arith.addi %mul3A_301, %add3A_310 : i32
      %get3A_312 = arith.index_cast %add3A_311 : i32 to index
      %get3A_313 = arith.constant 16 : index
      %get3A_314 = tpu.vector_load %arg9[%get3A_312, %get3A_313] {strides = array<i32>} : memref<832x64xf32, #tpu.memory_space<vmem>>, vector<1x16xf32>,
      %get3A_315 = vector.shape_cast %get3A_314 : vector<1x16xf32> to vector<16xf32>
      %add3A_316 = arith.addf %broadcast_in_dim3A_291, %get3A_315 : vector<16xf32>
      %mul3A_317 = arith.mulf %get3A_315, %get3A_315 : vector<16xf32>
      %add3A_318 = arith.addf %broadcast_in_dim3A_291, %mul3A_317 : vector<16xf32>
      %add3A_319 = arith.constant 0 : i32
      %add3A_320 = arith.addi %mul3A_301, %add3A_319 : i32
      %get3A_321 = arith.index_cast %add3A_320 : i32 to index
      %get3A_322 = arith.constant 32 : index
      %get3A_323 = tpu.vector_load %arg9[%get3A_321, %get3A_322] {strides = array<i32>} : memref<832x64xf32, #tpu.memory_space<vmem>>, vector<1x16xf32>,
      %get3A_324 = vector.shape_cast %get3A_323 : vector<1x16xf32> to vector<16xf32>
      %add3A_325 = arith.addf %broadcast_in_dim3A_291, %get3A_324 : vector<16xf32>
      %mul3A_326 = arith.mulf %get3A_324, %get3A_324 : vector<16xf32>
      %add3A_327 = arith.addf %broadcast_in_dim3A_291, %mul3A_326 : vector<16xf32>
      %add3A_328 = arith.constant 0 : i32
      %add3A_329 = arith.addi %mul3A_301, %add3A_328 : i32
      %get3A_330 = arith.index_cast %add3A_329 : i32 to index
      %get3A_331 = arith.constant 48 : index
      %get3A_332 = tpu.vector_load %arg9[%get3A_330, %get3A_331] {strides = array<i32>} : memref<832x64xf32, #tpu.memory_space<vmem>>, vector<1x16xf32>,
      %get3A_333 = vector.shape_cast %get3A_332 : vector<1x16xf32> to vector<16xf32>
      %add3A_334 = arith.addf %broadcast_in_dim3A_291, %get3A_333 : vector<16xf32>
      %mul3A_335 = arith.mulf %get3A_333, %get3A_333 : vector<16xf32>
      %add3A_336 = arith.addf %broadcast_in_dim3A_291, %mul3A_335 : vector<16xf32>
      %add3A_337 = arith.constant 1 : i32
      %add3A_338 = arith.addi %mul3A_301, %add3A_337 : i32
      %get3A_339 = arith.index_cast %add3A_338 : i32 to index
      %get3A_340 = arith.constant 0 : index
      %get3A_341 = tpu.vector_load %arg9[%get3A_339, %get3A_340] {strides = array<i32>} : memref<832x64xf32, #tpu.memory_space<vmem>>, vector<1x16xf32>,
      %get3A_342 = vector.shape_cast %get3A_341 : vector<1x16xf32> to vector<16xf32>
      %add3A_343 = arith.addf %add3A_307, %get3A_342 : vector<16xf32>
      %mul3A_344 = arith.mulf %get3A_342, %get3A_342 : vector<16xf32>
      %add3A_345 = arith.addf %add3A_309, %mul3A_344 : vector<16xf32>
      %add3A_346 = arith.constant 1 : i32
      %add3A_347 = arith.addi %mul3A_301, %add3A_346 : i32
      %get3A_348 = arith.index_cast %add3A_347 : i32 to index
      %get3A_349 = arith.constant 16 : index
      %get3A_350 = tpu.vector_load %arg9[%get3A_348, %get3A_349] {strides = array<i32>} : memref<832x64xf32, #tpu.memory_space<vmem>>, vector<1x16xf32>,
      %get3A_351 = vector.shape_cast %get3A_350 : vector<1x16xf32> to vector<16xf32>
      %add3A_352 = arith.addf %add3A_316, %get3A_351 : vector<16xf32>
      %mul3A_353 = arith.mulf %get3A_351, %get3A_351 : vector<16xf32>
      %add3A_354 = arith.addf %add3A_318, %mul3A_353 : vector<16xf32>
      %add3A_355 = arith.constant 1 : i32
      %add3A_356 = arith.addi %mul3A_301, %add3A_355 : i32
      %get3A_357 = arith.index_cast %add3A_356 : i32 to index
      %get3A_358 = arith.constant 32 : index
      %get3A_359 = tpu.vector_load %arg9[%get3A_357, %get3A_358] {strides = array<i32>} : memref<832x64xf32, #tpu.memory_space<vmem>>, vector<1x16xf32>,
      %get3A_360 = vector.shape_cast %get3A_359 : vector<1x16xf32> to vector<16xf32>
      %add3A_361 = arith.addf %add3A_325, %get3A_360 : vector<16xf32>
      %mul3A_362 = arith.mulf %get3A_360, %get3A_360 : vector<16xf32>
      %add3A_363 = arith.addf %add3A_327, %mul3A_362 : vector<16xf32>
      %add3A_364 = arith.constant 1 : i32
      %add3A_365 = arith.addi %mul3A_301, %add3A_364 : i32
      %get3A_366 = arith.index_cast %add3A_365 : i32 to index
      %get3A_367 = arith.constant 48 : index
      %get3A_368 = tpu.vector_load %arg9[%get3A_366, %get3A_367] {strides = array<i32>} : memref<832x64xf32, #tpu.memory_space<vmem>>, vector<1x16xf32>,
      %get3A_369 = vector.shape_cast %get3A_368 : vector<1x16xf32> to vector<16xf32>
      %add3A_370 = arith.addf %add3A_334, %get3A_369 : vector<16xf32>
      %mul3A_371 = arith.mulf %get3A_369, %get3A_369 : vector<16xf32>
      %add3A_372 = arith.addf %add3A_336, %mul3A_371 : vector<16xf32>
      %add3A_373 = arith.constant 2 : i32
      %add3A_374 = arith.addi %mul3A_301, %add3A_373 : i32
      %get3A_375 = arith.index_cast %add3A_374 : i32 to index
      %get3A_376 = arith.constant 0 : index
      %get3A_377 = tpu.vector_load %arg9[%get3A_375, %get3A_376] {strides = array<i32>} : memref<832x64xf32, #tpu.memory_space<vmem>>, vector<1x16xf32>,
      %get3A_378 = vector.shape_cast %get3A_377 : vector<1x16xf32> to vector<16xf32>
      %add3A_379 = arith.addf %add3A_343, %get3A_378 : vector<16xf32>
      %mul3A_380 = arith.mulf %get3A_378, %get3A_378 : vector<16xf32>
      %add3A_381 = arith.addf %add3A_345, %mul3A_380 : vector<16xf32>
      %add3A_382 = arith.constant 2 : i32
      %add3A_383 = arith.addi %mul3A_301, %add3A_382 : i32
      %get3A_384 = arith.index_cast %add3A_383 : i32 to index
      %get3A_385 = arith.constant 16 : index
      %get3A_386 = tpu.vector_load %arg9[%get3A_384, %get3A_385] {strides = array<i32>} : memref<832x64xf32, #tpu.memory_space<vmem>>, vector<1x16xf32>,
      %get3A_387 = vector.shape_cast %get3A_386 : vector<1x16xf32> to vector<16xf32>
      %add3A_388 = arith.addf %add3A_352, %get3A_387 : vector<16xf32>
      %mul3A_389 = arith.mulf %get3A_387, %get3A_387 : vector<16xf32>
      %add3A_390 = arith.addf %add3A_354, %mul3A_389 : vector<16xf32>
      %add3A_391 = arith.constant 2 : i32
      %add3A_392 = arith.addi %mul3A_301, %add3A_391 : i32
      %get3A_393 = arith.index_cast %add3A_392 : i32 to index
      %get3A_394 = arith.constant 32 : index
      %get3A_395 = tpu.vector_load %arg9[%get3A_393, %get3A_394] {strides = array<i32>} : memref<832x64xf32, #tpu.memory_space<vmem>>, vector<1x16xf32>,
      %get3A_396 = vector.shape_cast %get3A_395 : vector<1x16xf32> to vector<16xf32>
      %add3A_397 = arith.addf %add3A_361, %get3A_396 : vector<16xf32>
      %mul3A_398 = arith.mulf %get3A_396, %get3A_396 : vector<16xf32>
      %add3A_399 = arith.addf %add3A_363, %mul3A_398 : vector<16xf32>
      %add3A_400 = arith.constant 2 : i32
      %add3A_401 = arith.addi %mul3A_301, %add3A_400 : i32
      %get3A_402 = arith.index_cast %add3A_401 : i32 to index
      %get3A_403 = arith.constant 48 : index
      %get3A_404 = tpu.vector_load %arg9[%get3A_402, %get3A_403] {strides = array<i32>} : memref<832x64xf32, #tpu.memory_space<vmem>>, vector<1x16xf32>,
      %get3A_405 = vector.shape_cast %get3A_404 : vector<1x16xf32> to vector<16xf32>
      %add3A_406 = arith.addf %add3A_370, %get3A_405 : vector<16xf32>
      %mul3A_407 = arith.mulf %get3A_405, %get3A_405 : vector<16xf32>
      %add3A_408 = arith.addf %add3A_372, %mul3A_407 : vector<16xf32>
      %add3A_409 = arith.constant 3 : i32
      %add3A_410 = arith.addi %mul3A_301, %add3A_409 : i32
      %get3A_411 = arith.index_cast %add3A_410 : i32 to index
      %get3A_412 = arith.constant 0 : index
      %get3A_413 = tpu.vector_load %arg9[%get3A_411, %get3A_412] {strides = array<i32>} : memref<832x64xf32, #tpu.memory_space<vmem>>, vector<1x16xf32>,
      %get3A_414 = vector.shape_cast %get3A_413 : vector<1x16xf32> to vector<16xf32>
      %add3A_415 = arith.addf %add3A_379, %get3A_414 : vector<16xf32>
      %mul3A_416 = arith.mulf %get3A_414, %get3A_414 : vector<16xf32>
      %add3A_417 = arith.addf %add3A_381, %mul3A_416 : vector<16xf32>
      %add3A_418 = arith.constant 3 : i32
      %add3A_419 = arith.addi %mul3A_301, %add3A_418 : i32
      %get3A_420 = arith.index_cast %add3A_419 : i32 to index
      %get3A_421 = arith.constant 16 : index
      %get3A_422 = tpu.vector_load %arg9[%get3A_420, %get3A_421] {strides = array<i32>} : memref<832x64xf32, #tpu.memory_space<vmem>>, vector<1x16xf32>,
      %get3A_423 = vector.shape_cast %get3A_422 : vector<1x16xf32> to vector<16xf32>
      %add3A_424 = arith.addf %add3A_388, %get3A_423 : vector<16xf32>
      %mul3A_425 = arith.mulf %get3A_423, %get3A_423 : vector<16xf32>
      %add3A_426 = arith.addf %add3A_390, %mul3A_425 : vector<16xf32>
      %add3A_427 = arith.constant 3 : i32
      %add3A_428 = arith.addi %mul3A_301, %add3A_427 : i32
      %get3A_429 = arith.index_cast %add3A_428 : i32 to index
      %get3A_430 = arith.constant 32 : index
      %get3A_431 = tpu.vector_load %arg9[%get3A_429, %get3A_430] {strides = array<i32>} : memref<832x64xf32, #tpu.memory_space<vmem>>, vector<1x16xf32>,
      %get3A_432 = vector.shape_cast %get3A_431 : vector<1x16xf32> to vector<16xf32>
      %add3A_433 = arith.addf %add3A_397, %get3A_432 : vector<16xf32>
      %mul3A_434 = arith.mulf %get3A_432, %get3A_432 : vector<16xf32>
      %add3A_435 = arith.addf %add3A_399, %mul3A_434 : vector<16xf32>
      %add3A_436 = arith.constant 3 : i32
      %add3A_437 = arith.addi %mul3A_301, %add3A_436 : i32
      %get3A_438 = arith.index_cast %add3A_437 : i32 to index
      %get3A_439 = arith.constant 48 : index
      %get3A_440 = tpu.vector_load %arg9[%get3A_438, %get3A_439] {strides = array<i32>} : memref<832x64xf32, #tpu.memory_space<vmem>>, vector<1x16xf32>,
      %get3A_441 = vector.shape_cast %get3A_440 : vector<1x16xf32> to vector<16xf32>
      %add3A_442 = arith.addf %add3A_406, %get3A_441 : vector<16xf32>
      %mul3A_443 = arith.mulf %get3A_441, %get3A_441 : vector<16xf32>
      %add3A_444 = arith.addf %add3A_408, %mul3A_443 : vector<16xf32>
      %add3A_445 = arith.constant 4 : i32
      %add3A_446 = arith.addi %mul3A_301, %add3A_445 : i32
      %get3A_447 = arith.index_cast %add3A_446 : i32 to index
      %get3A_448 = arith.constant 0 : index
      %get3A_449 = tpu.vector_load %arg9[%get3A_447, %get3A_448] {strides = array<i32>} : memref<832x64xf32, #tpu.memory_space<vmem>>, vector<1x16xf32>,
      %get3A_450 = vector.shape_cast %get3A_449 : vector<1x16xf32> to vector<16xf32>
      %add3A_451 = arith.addf %add3A_415, %get3A_450 : vector<16xf32>
      %mul3A_452 = arith.mulf %get3A_450, %get3A_450 : vector<16xf32>
      %add3A_453 = arith.addf %add3A_417, %mul3A_452 : vector<16xf32>
      %add3A_454 = arith.constant 4 : i32
      %add3A_455 = arith.addi %mul3A_301, %add3A_454 : i32
      %get3A_456 = arith.index_cast %add3A_455 : i32 to index
      %get3A_457 = arith.constant 16 : index
      %get3A_458 = tpu.vector_load %arg9[%get3A_456, %get3A_457] {strides = array<i32>} : memref<832x64xf32, #tpu.memory_space<vmem>>, vector<1x16xf32>,
      %get3A_459 = vector.shape_cast %get3A_458 : vector<1x16xf32> to vector<16xf32>
      %add3A_460 = arith.addf %add3A_424, %get3A_459 : vector<16xf32>
      %mul3A_461 = arith.mulf %get3A_459, %get3A_459 : vector<16xf32>
      %add3A_462 = arith.addf %add3A_426, %mul3A_461 : vector<16xf32>
      %add3A_463 = arith.constant 4 : i32
      %add3A_464 = arith.addi %mul3A_301, %add3A_463 : i32
      %get3A_465 = arith.index_cast %add3A_464 : i32 to index
      %get3A_466 = arith.constant 32 : index
      %get3A_467 = tpu.vector_load %arg9[%get3A_465, %get3A_466] {strides = array<i32>} : memref<832x64xf32, #tpu.memory_space<vmem>>, vector<1x16xf32>,
      %get3A_468 = vector.shape_cast %get3A_467 : vector<1x16xf32> to vector<16xf32>
      %add3A_469 = arith.addf %add3A_433, %get3A_468 : vector<16xf32>
      %mul3A_470 = arith.mulf %get3A_468, %get3A_468 : vector<16xf32>
      %add3A_471 = arith.addf %add3A_435, %mul3A_470 : vector<16xf32>
      %add3A_472 = arith.constant 4 : i32
      %add3A_473 = arith.addi %mul3A_301, %add3A_472 : i32
      %get3A_474 = arith.index_cast %add3A_473 : i32 to index
      %get3A_475 = arith.constant 48 : index
      %get3A_476 = tpu.vector_load %arg9[%get3A_474, %get3A_475] {strides = array<i32>} : memref<832x64xf32, #tpu.memory_space<vmem>>, vector<1x16xf32>,
      %get3A_477 = vector.shape_cast %get3A_476 : vector<1x16xf32> to vector<16xf32>
      %add3A_478 = arith.addf %add3A_442, %get3A_477 : vector<16xf32>
      %mul3A_479 = arith.mulf %get3A_477, %get3A_477 : vector<16xf32>
      %add3A_480 = arith.addf %add3A_444, %mul3A_479 : vector<16xf32>
      %add3A_481 = arith.constant 5 : i32
      %add3A_482 = arith.addi %mul3A_301, %add3A_481 : i32
      %get3A_483 = arith.index_cast %add3A_482 : i32 to index
      %get3A_484 = arith.constant 0 : index
      %get3A_485 = tpu.vector_load %arg9[%get3A_483, %get3A_484] {strides = array<i32>} : memref<832x64xf32, #tpu.memory_space<vmem>>, vector<1x16xf32>,
      %get3A_486 = vector.shape_cast %get3A_485 : vector<1x16xf32> to vector<16xf32>
      %add3A_487 = arith.addf %add3A_451, %get3A_486 : vector<16xf32>
      %mul3A_488 = arith.mulf %get3A_486, %get3A_486 : vector<16xf32>
      %add3A_489 = arith.addf %add3A_453, %mul3A_488 : vector<16xf32>
      %add3A_490 = arith.constant 5 : i32
      %add3A_491 = arith.addi %mul3A_301, %add3A_490 : i32
      %get3A_492 = arith.index_cast %add3A_491 : i32 to index
      %get3A_493 = arith.constant 16 : index
      %get3A_494 = tpu.vector_load %arg9[%get3A_492, %get3A_493] {strides = array<i32>} : memref<832x64xf32, #tpu.memory_space<vmem>>, vector<1x16xf32>,
      %get3A_495 = vector.shape_cast %get3A_494 : vector<1x16xf32> to vector<16xf32>
      %add3A_496 = arith.addf %add3A_460, %get3A_495 : vector<16xf32>
      %mul3A_497 = arith.mulf %get3A_495, %get3A_495 : vector<16xf32>
      %add3A_498 = arith.addf %add3A_462, %mul3A_497 : vector<16xf32>
      %add3A_499 = arith.constant 5 : i32
      %add3A_500 = arith.addi %mul3A_301, %add3A_499 : i32
      %get3A_501 = arith.index_cast %add3A_500 : i32 to index
      %get3A_502 = arith.constant 32 : index
      %get3A_503 = tpu.vector_load %arg9[%get3A_501, %get3A_502] {strides = array<i32>} : memref<832x64xf32, #tpu.memory_space<vmem>>, vector<1x16xf32>,
      %get3A_504 = vector.shape_cast %get3A_503 : vector<1x16xf32> to vector<16xf32>
      %add3A_505 = arith.addf %add3A_469, %get3A_504 : vector<16xf32>
      %mul3A_506 = arith.mulf %get3A_504, %get3A_504 : vector<16xf32>
      %add3A_507 = arith.addf %add3A_471, %mul3A_506 : vector<16xf32>
      %add3A_508 = arith.constant 5 : i32
      %add3A_509 = arith.addi %mul3A_301, %add3A_508 : i32
      %get3A_510 = arith.index_cast %add3A_509 : i32 to index
      %get3A_511 = arith.constant 48 : index
      %get3A_512 = tpu.vector_load %arg9[%get3A_510, %get3A_511] {strides = array<i32>} : memref<832x64xf32, #tpu.memory_space<vmem>>, vector<1x16xf32>,
      %get3A_513 = vector.shape_cast %get3A_512 : vector<1x16xf32> to vector<16xf32>
      %add3A_514 = arith.addf %add3A_478, %get3A_513 : vector<16xf32>
      %mul3A_515 = arith.mulf %get3A_513, %get3A_513 : vector<16xf32>
      %add3A_516 = arith.addf %add3A_480, %mul3A_515 : vector<16xf32>
      %add3A_517 = arith.constant 6 : i32
      %add3A_518 = arith.addi %mul3A_301, %add3A_517 : i32
      %get3A_519 = arith.index_cast %add3A_518 : i32 to index
      %get3A_520 = arith.constant 0 : index
      %get3A_521 = tpu.vector_load %arg9[%get3A_519, %get3A_520] {strides = array<i32>} : memref<832x64xf32, #tpu.memory_space<vmem>>, vector<1x16xf32>,
      %get3A_522 = vector.shape_cast %get3A_521 : vector<1x16xf32> to vector<16xf32>
      %add3A_523 = arith.addf %add3A_487, %get3A_522 : vector<16xf32>
      %mul3A_524 = arith.mulf %get3A_522, %get3A_522 : vector<16xf32>
      %add3A_525 = arith.addf %add3A_489, %mul3A_524 : vector<16xf32>
      %add3A_526 = arith.constant 6 : i32
      %add3A_527 = arith.addi %mul3A_301, %add3A_526 : i32
      %get3A_528 = arith.index_cast %add3A_527 : i32 to index
      %get3A_529 = arith.constant 16 : index
      %get3A_530 = tpu.vector_load %arg9[%get3A_528, %get3A_529] {strides = array<i32>} : memref<832x64xf32, #tpu.memory_space<vmem>>, vector<1x16xf32>,
      %get3A_531 = vector.shape_cast %get3A_530 : vector<1x16xf32> to vector<16xf32>
      %add3A_532 = arith.addf %add3A_496, %get3A_531 : vector<16xf32>
      %mul3A_533 = arith.mulf %get3A_531, %get3A_531 : vector<16xf32>
      %add3A_534 = arith.addf %add3A_498, %mul3A_533 : vector<16xf32>
      %add3A_535 = arith.constant 6 : i32
      %add3A_536 = arith.addi %mul3A_301, %add3A_535 : i32
      %get3A_537 = arith.index_cast %add3A_536 : i32 to index
      %get3A_538 = arith.constant 32 : index
      %get3A_539 = tpu.vector_load %arg9[%get3A_537, %get3A_538] {strides = array<i32>} : memref<832x64xf32, #tpu.memory_space<vmem>>, vector<1x16xf32>,
      %get3A_540 = vector.shape_cast %get3A_539 : vector<1x16xf32> to vector<16xf32>
      %add3A_541 = arith.addf %add3A_505, %get3A_540 : vector<16xf32>
      %mul3A_542 = arith.mulf %get3A_540, %get3A_540 : vector<16xf32>
      %add3A_543 = arith.addf %add3A_507, %mul3A_542 : vector<16xf32>
      %add3A_544 = arith.constant 6 : i32
      %add3A_545 = arith.addi %mul3A_301, %add3A_544 : i32
      %get3A_546 = arith.index_cast %add3A_545 : i32 to index
      %get3A_547 = arith.constant 48 : index
      %get3A_548 = tpu.vector_load %arg9[%get3A_546, %get3A_547] {strides = array<i32>} : memref<832x64xf32, #tpu.memory_space<vmem>>, vector<1x16xf32>,
      %get3A_549 = vector.shape_cast %get3A_548 : vector<1x16xf32> to vector<16xf32>
      %add3A_550 = arith.addf %add3A_514, %get3A_549 : vector<16xf32>
      %mul3A_551 = arith.mulf %get3A_549, %get3A_549 : vector<16xf32>
      %add3A_552 = arith.addf %add3A_516, %mul3A_551 : vector<16xf32>
      %add3A_553 = arith.constant 7 : i32
      %add3A_554 = arith.addi %mul3A_301, %add3A_553 : i32
      %get3A_555 = arith.index_cast %add3A_554 : i32 to index
      %get3A_556 = arith.constant 0 : index
      %get3A_557 = tpu.vector_load %arg9[%get3A_555, %get3A_556] {strides = array<i32>} : memref<832x64xf32, #tpu.memory_space<vmem>>, vector<1x16xf32>,
      %get3A_558 = vector.shape_cast %get3A_557 : vector<1x16xf32> to vector<16xf32>
      %add3A_559 = arith.addf %add3A_523, %get3A_558 : vector<16xf32>
      %mul3A_560 = arith.mulf %get3A_558, %get3A_558 : vector<16xf32>
      %add3A_561 = arith.addf %add3A_525, %mul3A_560 : vector<16xf32>
      %add3A_562 = arith.constant 7 : i32
      %add3A_563 = arith.addi %mul3A_301, %add3A_562 : i32
      %get3A_564 = arith.index_cast %add3A_563 : i32 to index
      %get3A_565 = arith.constant 16 : index
      %get3A_566 = tpu.vector_load %arg9[%get3A_564, %get3A_565] {strides = array<i32>} : memref<832x64xf32, #tpu.memory_space<vmem>>, vector<1x16xf32>,
      %get3A_567 = vector.shape_cast %get3A_566 : vector<1x16xf32> to vector<16xf32>
      %add3A_568 = arith.addf %add3A_532, %get3A_567 : vector<16xf32>
      %mul3A_569 = arith.mulf %get3A_567, %get3A_567 : vector<16xf32>
      %add3A_570 = arith.addf %add3A_534, %mul3A_569 : vector<16xf32>
      %add3A_571 = arith.constant 7 : i32
      %add3A_572 = arith.addi %mul3A_301, %add3A_571 : i32
      %get3A_573 = arith.index_cast %add3A_572 : i32 to index
      %get3A_574 = arith.constant 32 : index
      %get3A_575 = tpu.vector_load %arg9[%get3A_573, %get3A_574] {strides = array<i32>} : memref<832x64xf32, #tpu.memory_space<vmem>>, vector<1x16xf32>,
      %get3A_576 = vector.shape_cast %get3A_575 : vector<1x16xf32> to vector<16xf32>
      %add3A_577 = arith.addf %add3A_541, %get3A_576 : vector<16xf32>
      %mul3A_578 = arith.mulf %get3A_576, %get3A_576 : vector<16xf32>
      %add3A_579 = arith.addf %add3A_543, %mul3A_578 : vector<16xf32>
      %add3A_580 = arith.constant 7 : i32
      %add3A_581 = arith.addi %mul3A_301, %add3A_580 : i32
      %get3A_582 = arith.index_cast %add3A_581 : i32 to index
      %get3A_583 = arith.constant 48 : index
      %get3A_584 = tpu.vector_load %arg9[%get3A_582, %get3A_583] {strides = array<i32>} : memref<832x64xf32, #tpu.memory_space<vmem>>, vector<1x16xf32>,
      %get3A_585 = vector.shape_cast %get3A_584 : vector<1x16xf32> to vector<16xf32>
      %add3A_586 = arith.addf %add3A_550, %get3A_585 : vector<16xf32>
      %mul3A_587 = arith.mulf %get3A_585, %get3A_585 : vector<16xf32>
      %add3A_588 = arith.addf %add3A_552, %mul3A_587 : vector<16xf32>
      %add3A_589 = arith.constant 8 : i32
      %add3A_590 = arith.addi %mul3A_301, %add3A_589 : i32
      %get3A_591 = arith.index_cast %add3A_590 : i32 to index
      %get3A_592 = arith.constant 0 : index
      %get3A_593 = tpu.vector_load %arg9[%get3A_591, %get3A_592] {strides = array<i32>} : memref<832x64xf32, #tpu.memory_space<vmem>>, vector<1x16xf32>,
      %get3A_594 = vector.shape_cast %get3A_593 : vector<1x16xf32> to vector<16xf32>
      %add3A_595 = arith.addf %add3A_559, %get3A_594 : vector<16xf32>
      %mul3A_596 = arith.mulf %get3A_594, %get3A_594 : vector<16xf32>
      %add3A_597 = arith.addf %add3A_561, %mul3A_596 : vector<16xf32>
      %add3A_598 = arith.constant 8 : i32
      %add3A_599 = arith.addi %mul3A_301, %add3A_598 : i32
      %get3A_600 = arith.index_cast %add3A_599 : i32 to index
      %get3A_601 = arith.constant 16 : index
      %get3A_602 = tpu.vector_load %arg9[%get3A_600, %get3A_601] {strides = array<i32>} : memref<832x64xf32, #tpu.memory_space<vmem>>, vector<1x16xf32>,
      %get3A_603 = vector.shape_cast %get3A_602 : vector<1x16xf32> to vector<16xf32>
      %add3A_604 = arith.addf %add3A_568, %get3A_603 : vector<16xf32>
      %mul3A_605 = arith.mulf %get3A_603, %get3A_603 : vector<16xf32>
      %add3A_606 = arith.addf %add3A_570, %mul3A_605 : vector<16xf32>
      %add3A_607 = arith.constant 8 : i32
      %add3A_608 = arith.addi %mul3A_301, %add3A_607 : i32
      %get3A_609 = arith.index_cast %add3A_608 : i32 to index
      %get3A_610 = arith.constant 32 : index
      %get3A_611 = tpu.vector_load %arg9[%get3A_609, %get3A_610] {strides = array<i32>} : memref<832x64xf32, #tpu.memory_space<vmem>>, vector<1x16xf32>,
      %get3A_612 = vector.shape_cast %get3A_611 : vector<1x16xf32> to vector<16xf32>
      %add3A_613 = arith.addf %add3A_577, %get3A_612 : vector<16xf32>
      %mul3A_614 = arith.mulf %get3A_612, %get3A_612 : vector<16xf32>
      %add3A_615 = arith.addf %add3A_579, %mul3A_614 : vector<16xf32>
      %add3A_616 = arith.constant 8 : i32
      %add3A_617 = arith.addi %mul3A_301, %add3A_616 : i32
      %get3A_618 = arith.index_cast %add3A_617 : i32 to index
      %get3A_619 = arith.constant 48 : index
      %get3A_620 = tpu.vector_load %arg9[%get3A_618, %get3A_619] {strides = array<i32>} : memref<832x64xf32, #tpu.memory_space<vmem>>, vector<1x16xf32>,
      %get3A_621 = vector.shape_cast %get3A_620 : vector<1x16xf32> to vector<16xf32>
      %add3A_622 = arith.addf %add3A_586, %get3A_621 : vector<16xf32>
      %mul3A_623 = arith.mulf %get3A_621, %get3A_621 : vector<16xf32>
      %add3A_624 = arith.addf %add3A_588, %mul3A_623 : vector<16xf32>
      %add3A_625 = arith.constant 9 : i32
      %add3A_626 = arith.addi %mul3A_301, %add3A_625 : i32
      %get3A_627 = arith.index_cast %add3A_626 : i32 to index
      %get3A_628 = arith.constant 0 : index
      %get3A_629 = tpu.vector_load %arg9[%get3A_627, %get3A_628] {strides = array<i32>} : memref<832x64xf32, #tpu.memory_space<vmem>>, vector<1x16xf32>,
      %get3A_630 = vector.shape_cast %get3A_629 : vector<1x16xf32> to vector<16xf32>
      %add3A_631 = arith.addf %add3A_595, %get3A_630 : vector<16xf32>
      %mul3A_632 = arith.mulf %get3A_630, %get3A_630 : vector<16xf32>
      %add3A_633 = arith.addf %add3A_597, %mul3A_632 : vector<16xf32>
      %add3A_634 = arith.constant 9 : i32
      %add3A_635 = arith.addi %mul3A_301, %add3A_634 : i32
      %get3A_636 = arith.index_cast %add3A_635 : i32 to index
      %get3A_637 = arith.constant 16 : index
      %get3A_638 = tpu.vector_load %arg9[%get3A_636, %get3A_637] {strides = array<i32>} : memref<832x64xf32, #tpu.memory_space<vmem>>, vector<1x16xf32>,
      %get3A_639 = vector.shape_cast %get3A_638 : vector<1x16xf32> to vector<16xf32>
      %add3A_640 = arith.addf %add3A_604, %get3A_639 : vector<16xf32>
      %mul3A_641 = arith.mulf %get3A_639, %get3A_639 : vector<16xf32>
      %add3A_642 = arith.addf %add3A_606, %mul3A_641 : vector<16xf32>
      %add3A_643 = arith.constant 9 : i32
      %add3A_644 = arith.addi %mul3A_301, %add3A_643 : i32
      %get3A_645 = arith.index_cast %add3A_644 : i32 to index
      %get3A_646 = arith.constant 32 : index
      %get3A_647 = tpu.vector_load %arg9[%get3A_645, %get3A_646] {strides = array<i32>} : memref<832x64xf32, #tpu.memory_space<vmem>>, vector<1x16xf32>,
      %get3A_648 = vector.shape_cast %get3A_647 : vector<1x16xf32> to vector<16xf32>
      %add3A_649 = arith.addf %add3A_613, %get3A_648 : vector<16xf32>
      %mul3A_650 = arith.mulf %get3A_648, %get3A_648 : vector<16xf32>
      %add3A_651 = arith.addf %add3A_615, %mul3A_650 : vector<16xf32>
      %add3A_652 = arith.constant 9 : i32
      %add3A_653 = arith.addi %mul3A_301, %add3A_652 : i32
      %get3A_654 = arith.index_cast %add3A_653 : i32 to index
      %get3A_655 = arith.constant 48 : index
      %get3A_656 = tpu.vector_load %arg9[%get3A_654, %get3A_655] {strides = array<i32>} : memref<832x64xf32, #tpu.memory_space<vmem>>, vector<1x16xf32>,
      %get3A_657 = vector.shape_cast %get3A_656 : vector<1x16xf32> to vector<16xf32>
      %add3A_658 = arith.addf %add3A_622, %get3A_657 : vector<16xf32>
      %mul3A_659 = arith.mulf %get3A_657, %get3A_657 : vector<16xf32>
      %add3A_660 = arith.addf %add3A_624, %mul3A_659 : vector<16xf32>
      %add3A_661 = arith.constant 10 : i32
      %add3A_662 = arith.addi %mul3A_301, %add3A_661 : i32
      %get3A_663 = arith.index_cast %add3A_662 : i32 to index
      %get3A_664 = arith.constant 0 : index
      %get3A_665 = tpu.vector_load %arg9[%get3A_663, %get3A_664] {strides = array<i32>} : memref<832x64xf32, #tpu.memory_space<vmem>>, vector<1x16xf32>,
      %get3A_666 = vector.shape_cast %get3A_665 : vector<1x16xf32> to vector<16xf32>
      %add3A_667 = arith.addf %add3A_631, %get3A_666 : vector<16xf32>
      %mul3A_668 = arith.mulf %get3A_666, %get3A_666 : vector<16xf32>
      %add3A_669 = arith.addf %add3A_633, %mul3A_668 : vector<16xf32>
      %add3A_670 = arith.constant 10 : i32
      %add3A_671 = arith.addi %mul3A_301, %add3A_670 : i32
      %get3A_672 = arith.index_cast %add3A_671 : i32 to index
      %get3A_673 = arith.constant 16 : index
      %get3A_674 = tpu.vector_load %arg9[%get3A_672, %get3A_673] {strides = array<i32>} : memref<832x64xf32, #tpu.memory_space<vmem>>, vector<1x16xf32>,
      %get3A_675 = vector.shape_cast %get3A_674 : vector<1x16xf32> to vector<16xf32>
      %add3A_676 = arith.addf %add3A_640, %get3A_675 : vector<16xf32>
      %mul3A_677 = arith.mulf %get3A_675, %get3A_675 : vector<16xf32>
      %add3A_678 = arith.addf %add3A_642, %mul3A_677 : vector<16xf32>
      %add3A_679 = arith.constant 10 : i32
      %add3A_680 = arith.addi %mul3A_301, %add3A_679 : i32
      %get3A_681 = arith.index_cast %add3A_680 : i32 to index
      %get3A_682 = arith.constant 32 : index
      %get3A_683 = tpu.vector_load %arg9[%get3A_681, %get3A_682] {strides = array<i32>} : memref<832x64xf32, #tpu.memory_space<vmem>>, vector<1x16xf32>,
      %get3A_684 = vector.shape_cast %get3A_683 : vector<1x16xf32> to vector<16xf32>
      %add3A_685 = arith.addf %add3A_649, %get3A_684 : vector<16xf32>
      %mul3A_686 = arith.mulf %get3A_684, %get3A_684 : vector<16xf32>
      %add3A_687 = arith.addf %add3A_651, %mul3A_686 : vector<16xf32>
      %add3A_688 = arith.constant 10 : i32
      %add3A_689 = arith.addi %mul3A_301, %add3A_688 : i32
      %get3A_690 = arith.index_cast %add3A_689 : i32 to index
      %get3A_691 = arith.constant 48 : index
      %get3A_692 = tpu.vector_load %arg9[%get3A_690, %get3A_691] {strides = array<i32>} : memref<832x64xf32, #tpu.memory_space<vmem>>, vector<1x16xf32>,
      %get3A_693 = vector.shape_cast %get3A_692 : vector<1x16xf32> to vector<16xf32>
      %add3A_694 = arith.addf %add3A_658, %get3A_693 : vector<16xf32>
      %mul3A_695 = arith.mulf %get3A_693, %get3A_693 : vector<16xf32>
      %add3A_696 = arith.addf %add3A_660, %mul3A_695 : vector<16xf32>
      %add3A_697 = arith.constant 11 : i32
      %add3A_698 = arith.addi %mul3A_301, %add3A_697 : i32
      %get3A_699 = arith.index_cast %add3A_698 : i32 to index
      %get3A_700 = arith.constant 0 : index
      %get3A_701 = tpu.vector_load %arg9[%get3A_699, %get3A_700] {strides = array<i32>} : memref<832x64xf32, #tpu.memory_space<vmem>>, vector<1x16xf32>,
      %get3A_702 = vector.shape_cast %get3A_701 : vector<1x16xf32> to vector<16xf32>
      %add3A_703 = arith.addf %add3A_667, %get3A_702 : vector<16xf32>
      %mul3A_704 = arith.mulf %get3A_702, %get3A_702 : vector<16xf32>
      %add3A_705 = arith.addf %add3A_669, %mul3A_704 : vector<16xf32>
      %add3A_706 = arith.constant 11 : i32
      %add3A_707 = arith.addi %mul3A_301, %add3A_706 : i32
      %get3A_708 = arith.index_cast %add3A_707 : i32 to index
      %get3A_709 = arith.constant 16 : index
      %get3A_710 = tpu.vector_load %arg9[%get3A_708, %get3A_709] {strides = array<i32>} : memref<832x64xf32, #tpu.memory_space<vmem>>, vector<1x16xf32>,
      %get3A_711 = vector.shape_cast %get3A_710 : vector<1x16xf32> to vector<16xf32>
      %add3A_712 = arith.addf %add3A_676, %get3A_711 : vector<16xf32>
      %mul3A_713 = arith.mulf %get3A_711, %get3A_711 : vector<16xf32>
      %add3A_714 = arith.addf %add3A_678, %mul3A_713 : vector<16xf32>
      %add3A_715 = arith.constant 11 : i32
      %add3A_716 = arith.addi %mul3A_301, %add3A_715 : i32
      %get3A_717 = arith.index_cast %add3A_716 : i32 to index
      %get3A_718 = arith.constant 32 : index
      %get3A_719 = tpu.vector_load %arg9[%get3A_717, %get3A_718] {strides = array<i32>} : memref<832x64xf32, #tpu.memory_space<vmem>>, vector<1x16xf32>,
      %get3A_720 = vector.shape_cast %get3A_719 : vector<1x16xf32> to vector<16xf32>
      %add3A_721 = arith.addf %add3A_685, %get3A_720 : vector<16xf32>
      %mul3A_722 = arith.mulf %get3A_720, %get3A_720 : vector<16xf32>
      %add3A_723 = arith.addf %add3A_687, %mul3A_722 : vector<16xf32>
      %add3A_724 = arith.constant 11 : i32
      %add3A_725 = arith.addi %mul3A_301, %add3A_724 : i32
      %get3A_726 = arith.index_cast %add3A_725 : i32 to index
      %get3A_727 = arith.constant 48 : index
      %get3A_728 = tpu.vector_load %arg9[%get3A_726, %get3A_727] {strides = array<i32>} : memref<832x64xf32, #tpu.memory_space<vmem>>, vector<1x16xf32>,
      %get3A_729 = vector.shape_cast %get3A_728 : vector<1x16xf32> to vector<16xf32>
      %add3A_730 = arith.addf %add3A_694, %get3A_729 : vector<16xf32>
      %mul3A_731 = arith.mulf %get3A_729, %get3A_729 : vector<16xf32>
      %add3A_732 = arith.addf %add3A_696, %mul3A_731 : vector<16xf32>
      %add3A_733 = arith.constant 12 : i32
      %add3A_734 = arith.addi %mul3A_301, %add3A_733 : i32
      %get3A_735 = arith.index_cast %add3A_734 : i32 to index
      %get3A_736 = arith.constant 0 : index
      %get3A_737 = tpu.vector_load %arg9[%get3A_735, %get3A_736] {strides = array<i32>} : memref<832x64xf32, #tpu.memory_space<vmem>>, vector<1x16xf32>,
      %get3A_738 = vector.shape_cast %get3A_737 : vector<1x16xf32> to vector<16xf32>
      %add3A_739 = arith.addf %add3A_703, %get3A_738 : vector<16xf32>
      %mul3A_740 = arith.mulf %get3A_738, %get3A_738 : vector<16xf32>
      %add3A_741 = arith.addf %add3A_705, %mul3A_740 : vector<16xf32>
      %add3A_742 = arith.constant 12 : i32
      %add3A_743 = arith.addi %mul3A_301, %add3A_742 : i32
      %get3A_744 = arith.index_cast %add3A_743 : i32 to index
      %get3A_745 = arith.constant 16 : index
      %get3A_746 = tpu.vector_load %arg9[%get3A_744, %get3A_745] {strides = array<i32>} : memref<832x64xf32, #tpu.memory_space<vmem>>, vector<1x16xf32>,
      %get3A_747 = vector.shape_cast %get3A_746 : vector<1x16xf32> to vector<16xf32>
      %add3A_748 = arith.addf %add3A_712, %get3A_747 : vector<16xf32>
      %mul3A_749 = arith.mulf %get3A_747, %get3A_747 : vector<16xf32>
      %add3A_750 = arith.addf %add3A_714, %mul3A_749 : vector<16xf32>
      %add3A_751 = arith.constant 12 : i32
      %add3A_752 = arith.addi %mul3A_301, %add3A_751 : i32
      %get3A_753 = arith.index_cast %add3A_752 : i32 to index
      %get3A_754 = arith.constant 32 : index
      %get3A_755 = tpu.vector_load %arg9[%get3A_753, %get3A_754] {strides = array<i32>} : memref<832x64xf32, #tpu.memory_space<vmem>>, vector<1x16xf32>,
      %get3A_756 = vector.shape_cast %get3A_755 : vector<1x16xf32> to vector<16xf32>
      %add3A_757 = arith.addf %add3A_721, %get3A_756 : vector<16xf32>
      %mul3A_758 = arith.mulf %get3A_756, %get3A_756 : vector<16xf32>
      %add3A_759 = arith.addf %add3A_723, %mul3A_758 : vector<16xf32>
      %add3A_760 = arith.constant 12 : i32
      %add3A_761 = arith.addi %mul3A_301, %add3A_760 : i32
      %get3A_762 = arith.index_cast %add3A_761 : i32 to index
      %get3A_763 = arith.constant 48 : index
      %get3A_764 = tpu.vector_load %arg9[%get3A_762, %get3A_763] {strides = array<i32>} : memref<832x64xf32, #tpu.memory_space<vmem>>, vector<1x16xf32>,
      %get3A_765 = vector.shape_cast %get3A_764 : vector<1x16xf32> to vector<16xf32>
      %add3A_766 = arith.addf %add3A_730, %get3A_765 : vector<16xf32>
      %mul3A_767 = arith.mulf %get3A_765, %get3A_765 : vector<16xf32>
      %add3A_768 = arith.addf %add3A_732, %mul3A_767 : vector<16xf32>
      %add3A_769 = arith.constant 13 : i32
      %add3A_770 = arith.addi %mul3A_301, %add3A_769 : i32
      %get3A_771 = arith.index_cast %add3A_770 : i32 to index
      %get3A_772 = arith.constant 0 : index
      %get3A_773 = tpu.vector_load %arg9[%get3A_771, %get3A_772] {strides = array<i32>} : memref<832x64xf32, #tpu.memory_space<vmem>>, vector<1x16xf32>,
      %get3A_774 = vector.shape_cast %get3A_773 : vector<1x16xf32> to vector<16xf32>
      %add3A_775 = arith.addf %add3A_739, %get3A_774 : vector<16xf32>
      %mul3A_776 = arith.mulf %get3A_774, %get3A_774 : vector<16xf32>
      %add3A_777 = arith.addf %add3A_741, %mul3A_776 : vector<16xf32>
      %add3A_778 = arith.constant 13 : i32
      %add3A_779 = arith.addi %mul3A_301, %add3A_778 : i32
      %get3A_780 = arith.index_cast %add3A_779 : i32 to index
      %get3A_781 = arith.constant 16 : index
      %get3A_782 = tpu.vector_load %arg9[%get3A_780, %get3A_781] {strides = array<i32>} : memref<832x64xf32, #tpu.memory_space<vmem>>, vector<1x16xf32>,
      %get3A_783 = vector.shape_cast %get3A_782 : vector<1x16xf32> to vector<16xf32>
      %add3A_784 = arith.addf %add3A_748, %get3A_783 : vector<16xf32>
      %mul3A_785 = arith.mulf %get3A_783, %get3A_783 : vector<16xf32>
      %add3A_786 = arith.addf %add3A_750, %mul3A_785 : vector<16xf32>
      %add3A_787 = arith.constant 13 : i32
      %add3A_788 = arith.addi %mul3A_301, %add3A_787 : i32
      %get3A_789 = arith.index_cast %add3A_788 : i32 to index
      %get3A_790 = arith.constant 32 : index
      %get3A_791 = tpu.vector_load %arg9[%get3A_789, %get3A_790] {strides = array<i32>} : memref<832x64xf32, #tpu.memory_space<vmem>>, vector<1x16xf32>,
      %get3A_792 = vector.shape_cast %get3A_791 : vector<1x16xf32> to vector<16xf32>
      %add3A_793 = arith.addf %add3A_757, %get3A_792 : vector<16xf32>
      %mul3A_794 = arith.mulf %get3A_792, %get3A_792 : vector<16xf32>
      %add3A_795 = arith.addf %add3A_759, %mul3A_794 : vector<16xf32>
      %add3A_796 = arith.constant 13 : i32
      %add3A_797 = arith.addi %mul3A_301, %add3A_796 : i32
      %get3A_798 = arith.index_cast %add3A_797 : i32 to index
      %get3A_799 = arith.constant 48 : index
      %get3A_800 = tpu.vector_load %arg9[%get3A_798, %get3A_799] {strides = array<i32>} : memref<832x64xf32, #tpu.memory_space<vmem>>, vector<1x16xf32>,
      %get3A_801 = vector.shape_cast %get3A_800 : vector<1x16xf32> to vector<16xf32>
      %add3A_802 = arith.addf %add3A_766, %get3A_801 : vector<16xf32>
      %mul3A_803 = arith.mulf %get3A_801, %get3A_801 : vector<16xf32>
      %add3A_804 = arith.addf %add3A_768, %mul3A_803 : vector<16xf32>
      %add3A_805 = arith.constant 14 : i32
      %add3A_806 = arith.addi %mul3A_301, %add3A_805 : i32
      %get3A_807 = arith.index_cast %add3A_806 : i32 to index
      %get3A_808 = arith.constant 0 : index
      %get3A_809 = tpu.vector_load %arg9[%get3A_807, %get3A_808] {strides = array<i32>} : memref<832x64xf32, #tpu.memory_space<vmem>>, vector<1x16xf32>,
      %get3A_810 = vector.shape_cast %get3A_809 : vector<1x16xf32> to vector<16xf32>
      %add3A_811 = arith.addf %add3A_775, %get3A_810 : vector<16xf32>
      %mul3A_812 = arith.mulf %get3A_810, %get3A_810 : vector<16xf32>
      %add3A_813 = arith.addf %add3A_777, %mul3A_812 : vector<16xf32>
      %add3A_814 = arith.constant 14 : i32
      %add3A_815 = arith.addi %mul3A_301, %add3A_814 : i32
      %get3A_816 = arith.index_cast %add3A_815 : i32 to index
      %get3A_817 = arith.constant 16 : index
      %get3A_818 = tpu.vector_load %arg9[%get3A_816, %get3A_817] {strides = array<i32>} : memref<832x64xf32, #tpu.memory_space<vmem>>, vector<1x16xf32>,
      %get3A_819 = vector.shape_cast %get3A_818 : vector<1x16xf32> to vector<16xf32>
      %add3A_820 = arith.addf %add3A_784, %get3A_819 : vector<16xf32>
      %mul3A_821 = arith.mulf %get3A_819, %get3A_819 : vector<16xf32>
      %add3A_822 = arith.addf %add3A_786, %mul3A_821 : vector<16xf32>
      %add3A_823 = arith.constant 14 : i32
      %add3A_824 = arith.addi %mul3A_301, %add3A_823 : i32
      %get3A_825 = arith.index_cast %add3A_824 : i32 to index
      %get3A_826 = arith.constant 32 : index
      %get3A_827 = tpu.vector_load %arg9[%get3A_825, %get3A_826] {strides = array<i32>} : memref<832x64xf32, #tpu.memory_space<vmem>>, vector<1x16xf32>,
      %get3A_828 = vector.shape_cast %get3A_827 : vector<1x16xf32> to vector<16xf32>
      %add3A_829 = arith.addf %add3A_793, %get3A_828 : vector<16xf32>
      %mul3A_830 = arith.mulf %get3A_828, %get3A_828 : vector<16xf32>
      %add3A_831 = arith.addf %add3A_795, %mul3A_830 : vector<16xf32>
      %add3A_832 = arith.constant 14 : i32
      %add3A_833 = arith.addi %mul3A_301, %add3A_832 : i32
      %get3A_834 = arith.index_cast %add3A_833 : i32 to index
      %get3A_835 = arith.constant 48 : index
      %get3A_836 = tpu.vector_load %arg9[%get3A_834, %get3A_835] {strides = array<i32>} : memref<832x64xf32, #tpu.memory_space<vmem>>, vector<1x16xf32>,
      %get3A_837 = vector.shape_cast %get3A_836 : vector<1x16xf32> to vector<16xf32>
      %add3A_838 = arith.addf %add3A_802, %get3A_837 : vector<16xf32>
      %mul3A_839 = arith.mulf %get3A_837, %get3A_837 : vector<16xf32>
      %add3A_840 = arith.addf %add3A_804, %mul3A_839 : vector<16xf32>
      %add3A_841 = arith.constant 15 : i32
      %add3A_842 = arith.addi %mul3A_301, %add3A_841 : i32
      %get3A_843 = arith.index_cast %add3A_842 : i32 to index
      %get3A_844 = arith.constant 0 : index
      %get3A_845 = tpu.vector_load %arg9[%get3A_843, %get3A_844] {strides = array<i32>} : memref<832x64xf32, #tpu.memory_space<vmem>>, vector<1x16xf32>,
      %get3A_846 = vector.shape_cast %get3A_845 : vector<1x16xf32> to vector<16xf32>
      %add3A_847 = arith.addf %add3A_811, %get3A_846 : vector<16xf32>
      %mul3A_848 = arith.mulf %get3A_846, %get3A_846 : vector<16xf32>
      %add3A_849 = arith.addf %add3A_813, %mul3A_848 : vector<16xf32>
      %add3A_850 = arith.constant 15 : i32
      %add3A_851 = arith.addi %mul3A_301, %add3A_850 : i32
      %get3A_852 = arith.index_cast %add3A_851 : i32 to index
      %get3A_853 = arith.constant 16 : index
      %get3A_854 = tpu.vector_load %arg9[%get3A_852, %get3A_853] {strides = array<i32>} : memref<832x64xf32, #tpu.memory_space<vmem>>, vector<1x16xf32>,
      %get3A_855 = vector.shape_cast %get3A_854 : vector<1x16xf32> to vector<16xf32>
      %add3A_856 = arith.addf %add3A_820, %get3A_855 : vector<16xf32>
      %mul3A_857 = arith.mulf %get3A_855, %get3A_855 : vector<16xf32>
      %add3A_858 = arith.addf %add3A_822, %mul3A_857 : vector<16xf32>
      %add3A_859 = arith.constant 15 : i32
      %add3A_860 = arith.addi %mul3A_301, %add3A_859 : i32
      %get3A_861 = arith.index_cast %add3A_860 : i32 to index
      %get3A_862 = arith.constant 32 : index
      %get3A_863 = tpu.vector_load %arg9[%get3A_861, %get3A_862] {strides = array<i32>} : memref<832x64xf32, #tpu.memory_space<vmem>>, vector<1x16xf32>,
      %get3A_864 = vector.shape_cast %get3A_863 : vector<1x16xf32> to vector<16xf32>
      %add3A_865 = arith.addf %add3A_829, %get3A_864 : vector<16xf32>
      %mul3A_866 = arith.mulf %get3A_864, %get3A_864 : vector<16xf32>
      %add3A_867 = arith.addf %add3A_831, %mul3A_866 : vector<16xf32>
      %add3A_868 = arith.constant 15 : i32
      %add3A_869 = arith.addi %mul3A_301, %add3A_868 : i32
      %get3A_870 = arith.index_cast %add3A_869 : i32 to index
      %get3A_871 = arith.constant 48 : index
      %get3A_872 = tpu.vector_load %arg9[%get3A_870, %get3A_871] {strides = array<i32>} : memref<832x64xf32, #tpu.memory_space<vmem>>, vector<1x16xf32>,
      %get3A_873 = vector.shape_cast %get3A_872 : vector<1x16xf32> to vector<16xf32>
      %add3A_874 = arith.addf %add3A_838, %get3A_873 : vector<16xf32>
      %mul3A_875 = arith.mulf %get3A_873, %get3A_873 : vector<16xf32>
      %add3A_876 = arith.addf %add3A_840, %mul3A_875 : vector<16xf32>
      %add3A_877 = arith.constant 16 : i32
      %add3A_878 = arith.addi %mul3A_301, %add3A_877 : i32
      %get3A_879 = arith.index_cast %add3A_878 : i32 to index
      %get3A_880 = arith.constant 0 : index
      %get3A_881 = tpu.vector_load %arg9[%get3A_879, %get3A_880] {strides = array<i32>} : memref<832x64xf32, #tpu.memory_space<vmem>>, vector<1x16xf32>,
      %get3A_882 = vector.shape_cast %get3A_881 : vector<1x16xf32> to vector<16xf32>
      %add3A_883 = arith.addf %add3A_847, %get3A_882 : vector<16xf32>
      %mul3A_884 = arith.mulf %get3A_882, %get3A_882 : vector<16xf32>
      %add3A_885 = arith.addf %add3A_849, %mul3A_884 : vector<16xf32>
      %add3A_886 = arith.constant 16 : i32
      %add3A_887 = arith.addi %mul3A_301, %add3A_886 : i32
      %get3A_888 = arith.index_cast %add3A_887 : i32 to index
      %get3A_889 = arith.constant 16 : index
      %get3A_890 = tpu.vector_load %arg9[%get3A_888, %get3A_889] {strides = array<i32>} : memref<832x64xf32, #tpu.memory_space<vmem>>, vector<1x16xf32>,
      %get3A_891 = vector.shape_cast %get3A_890 : vector<1x16xf32> to vector<16xf32>
      %add3A_892 = arith.addf %add3A_856, %get3A_891 : vector<16xf32>
      %mul3A_893 = arith.mulf %get3A_891, %get3A_891 : vector<16xf32>
      %add3A_894 = arith.addf %add3A_858, %mul3A_893 : vector<16xf32>
      %add3A_895 = arith.constant 16 : i32
      %add3A_896 = arith.addi %mul3A_301, %add3A_895 : i32
      %get3A_897 = arith.index_cast %add3A_896 : i32 to index
      %get3A_898 = arith.constant 32 : index
      %get3A_899 = tpu.vector_load %arg9[%get3A_897, %get3A_898] {strides = array<i32>} : memref<832x64xf32, #tpu.memory_space<vmem>>, vector<1x16xf32>,
      %get3A_900 = vector.shape_cast %get3A_899 : vector<1x16xf32> to vector<16xf32>
      %add3A_901 = arith.addf %add3A_865, %get3A_900 : vector<16xf32>
      %mul3A_902 = arith.mulf %get3A_900, %get3A_900 : vector<16xf32>
      %add3A_903 = arith.addf %add3A_867, %mul3A_902 : vector<16xf32>
      %add3A_904 = arith.constant 16 : i32
      %add3A_905 = arith.addi %mul3A_301, %add3A_904 : i32
      %get3A_906 = arith.index_cast %add3A_905 : i32 to index
      %get3A_907 = arith.constant 48 : index
      %get3A_908 = tpu.vector_load %arg9[%get3A_906, %get3A_907] {strides = array<i32>} : memref<832x64xf32, #tpu.memory_space<vmem>>, vector<1x16xf32>,
      %get3A_909 = vector.shape_cast %get3A_908 : vector<1x16xf32> to vector<16xf32>
      %add3A_910 = arith.addf %add3A_874, %get3A_909 : vector<16xf32>
      %mul3A_911 = arith.mulf %get3A_909, %get3A_909 : vector<16xf32>
      %add3A_912 = arith.addf %add3A_876, %mul3A_911 : vector<16xf32>
      %add3A_913 = arith.constant 17 : i32
      %add3A_914 = arith.addi %mul3A_301, %add3A_913 : i32
      %get3A_915 = arith.index_cast %add3A_914 : i32 to index
      %get3A_916 = arith.constant 0 : index
      %get3A_917 = tpu.vector_load %arg9[%get3A_915, %get3A_916] {strides = array<i32>} : memref<832x64xf32, #tpu.memory_space<vmem>>, vector<1x16xf32>,
      %get3A_918 = vector.shape_cast %get3A_917 : vector<1x16xf32> to vector<16xf32>
      %add3A_919 = arith.addf %add3A_883, %get3A_918 : vector<16xf32>
      %mul3A_920 = arith.mulf %get3A_918, %get3A_918 : vector<16xf32>
      %add3A_921 = arith.addf %add3A_885, %mul3A_920 : vector<16xf32>
      %add3A_922 = arith.constant 17 : i32
      %add3A_923 = arith.addi %mul3A_301, %add3A_922 : i32
      %get3A_924 = arith.index_cast %add3A_923 : i32 to index
      %get3A_925 = arith.constant 16 : index
      %get3A_926 = tpu.vector_load %arg9[%get3A_924, %get3A_925] {strides = array<i32>} : memref<832x64xf32, #tpu.memory_space<vmem>>, vector<1x16xf32>,
      %get3A_927 = vector.shape_cast %get3A_926 : vector<1x16xf32> to vector<16xf32>
      %add3A_928 = arith.addf %add3A_892, %get3A_927 : vector<16xf32>
      %mul3A_929 = arith.mulf %get3A_927, %get3A_927 : vector<16xf32>
      %add3A_930 = arith.addf %add3A_894, %mul3A_929 : vector<16xf32>
      %add3A_931 = arith.constant 17 : i32
      %add3A_932 = arith.addi %mul3A_301, %add3A_931 : i32
      %get3A_933 = arith.index_cast %add3A_932 : i32 to index
      %get3A_934 = arith.constant 32 : index
      %get3A_935 = tpu.vector_load %arg9[%get3A_933, %get3A_934] {strides = array<i32>} : memref<832x64xf32, #tpu.memory_space<vmem>>, vector<1x16xf32>,
      %get3A_936 = vector.shape_cast %get3A_935 : vector<1x16xf32> to vector<16xf32>
      %add3A_937 = arith.addf %add3A_901, %get3A_936 : vector<16xf32>
      %mul3A_938 = arith.mulf %get3A_936, %get3A_936 : vector<16xf32>
      %add3A_939 = arith.addf %add3A_903, %mul3A_938 : vector<16xf32>
      %add3A_940 = arith.constant 17 : i32
      %add3A_941 = arith.addi %mul3A_301, %add3A_940 : i32
      %get3A_942 = arith.index_cast %add3A_941 : i32 to index
      %get3A_943 = arith.constant 48 : index
      %get3A_944 = tpu.vector_load %arg9[%get3A_942, %get3A_943] {strides = array<i32>} : memref<832x64xf32, #tpu.memory_space<vmem>>, vector<1x16xf32>,
      %get3A_945 = vector.shape_cast %get3A_944 : vector<1x16xf32> to vector<16xf32>
      %add3A_946 = arith.addf %add3A_910, %get3A_945 : vector<16xf32>
      %mul3A_947 = arith.mulf %get3A_945, %get3A_945 : vector<16xf32>
      %add3A_948 = arith.addf %add3A_912, %mul3A_947 : vector<16xf32>
      %add3A_949 = arith.constant 18 : i32
      %add3A_950 = arith.addi %mul3A_301, %add3A_949 : i32
      %get3A_951 = arith.index_cast %add3A_950 : i32 to index
      %get3A_952 = arith.constant 0 : index
      %get3A_953 = tpu.vector_load %arg9[%get3A_951, %get3A_952] {strides = array<i32>} : memref<832x64xf32, #tpu.memory_space<vmem>>, vector<1x16xf32>,
      %get3A_954 = vector.shape_cast %get3A_953 : vector<1x16xf32> to vector<16xf32>
      %add3A_955 = arith.addf %add3A_919, %get3A_954 : vector<16xf32>
      %mul3A_956 = arith.mulf %get3A_954, %get3A_954 : vector<16xf32>
      %add3A_957 = arith.addf %add3A_921, %mul3A_956 : vector<16xf32>
      %add3A_958 = arith.constant 18 : i32
      %add3A_959 = arith.addi %mul3A_301, %add3A_958 : i32
      %get3A_960 = arith.index_cast %add3A_959 : i32 to index
      %get3A_961 = arith.constant 16 : index
      %get3A_962 = tpu.vector_load %arg9[%get3A_960, %get3A_961] {strides = array<i32>} : memref<832x64xf32, #tpu.memory_space<vmem>>, vector<1x16xf32>,
      %get3A_963 = vector.shape_cast %get3A_962 : vector<1x16xf32> to vector<16xf32>
      %add3A_964 = arith.addf %add3A_928, %get3A_963 : vector<16xf32>
      %mul3A_965 = arith.mulf %get3A_963, %get3A_963 : vector<16xf32>
      %add3A_966 = arith.addf %add3A_930, %mul3A_965 : vector<16xf32>
      %add3A_967 = arith.constant 18 : i32
      %add3A_968 = arith.addi %mul3A_301, %add3A_967 : i32
      %get3A_969 = arith.index_cast %add3A_968 : i32 to index
      %get3A_970 = arith.constant 32 : index
      %get3A_971 = tpu.vector_load %arg9[%get3A_969, %get3A_970] {strides = array<i32>} : memref<832x64xf32, #tpu.memory_space<vmem>>, vector<1x16xf32>,
      %get3A_972 = vector.shape_cast %get3A_971 : vector<1x16xf32> to vector<16xf32>
      %add3A_973 = arith.addf %add3A_937, %get3A_972 : vector<16xf32>
      %mul3A_974 = arith.mulf %get3A_972, %get3A_972 : vector<16xf32>
      %add3A_975 = arith.addf %add3A_939, %mul3A_974 : vector<16xf32>
      %add3A_976 = arith.constant 18 : i32
      %add3A_977 = arith.addi %mul3A_301, %add3A_976 : i32
      %get3A_978 = arith.index_cast %add3A_977 : i32 to index
      %get3A_979 = arith.constant 48 : index
      %get3A_980 = tpu.vector_load %arg9[%get3A_978, %get3A_979] {strides = array<i32>} : memref<832x64xf32, #tpu.memory_space<vmem>>, vector<1x16xf32>,
      %get3A_981 = vector.shape_cast %get3A_980 : vector<1x16xf32> to vector<16xf32>
      %add3A_982 = arith.addf %add3A_946, %get3A_981 : vector<16xf32>
      %mul3A_983 = arith.mulf %get3A_981, %get3A_981 : vector<16xf32>
      %add3A_984 = arith.addf %add3A_948, %mul3A_983 : vector<16xf32>
      %add3A_985 = arith.constant 19 : i32
      %add3A_986 = arith.addi %mul3A_301, %add3A_985 : i32
      %get3A_987 = arith.index_cast %add3A_986 : i32 to index
      %get3A_988 = arith.constant 0 : index
      %get3A_989 = tpu.vector_load %arg9[%get3A_987, %get3A_988] {strides = array<i32>} : memref<832x64xf32, #tpu.memory_space<vmem>>, vector<1x16xf32>,
      %get3A_990 = vector.shape_cast %get3A_989 : vector<1x16xf32> to vector<16xf32>
      %add3A_991 = arith.addf %add3A_955, %get3A_990 : vector<16xf32>
      %mul3A_992 = arith.mulf %get3A_990, %get3A_990 : vector<16xf32>
      %add3A_993 = arith.addf %add3A_957, %mul3A_992 : vector<16xf32>
      %add3A_994 = arith.constant 19 : i32
      %add3A_995 = arith.addi %mul3A_301, %add3A_994 : i32
      %get3A_996 = arith.index_cast %add3A_995 : i32 to index
      %get3A_997 = arith.constant 16 : index
      %get3A_998 = tpu.vector_load %arg9[%get3A_996, %get3A_997] {strides = array<i32>} : memref<832x64xf32, #tpu.memory_space<vmem>>, vector<1x16xf32>,
      %get3A_999 = vector.shape_cast %get3A_998 : vector<1x16xf32> to vector<16xf32>
      %add3A_1000 = arith.addf %add3A_964, %get3A_999 : vector<16xf32>
      %mul3A_1001 = arith.mulf %get3A_999, %get3A_999 : vector<16xf32>
      %add3A_1002 = arith.addf %add3A_966, %mul3A_1001 : vector<16xf32>
      %add3A_1003 = arith.constant 19 : i32
      %add3A_1004 = arith.addi %mul3A_301, %add3A_1003 : i32
      %get3A_1005 = arith.index_cast %add3A_1004 : i32 to index
      %get3A_1006 = arith.constant 32 : index
      %get3A_1007 = tpu.vector_load %arg9[%get3A_1005, %get3A_1006] {strides = array<i32>} : memref<832x64xf32, #tpu.memory_space<vmem>>, vector<1x16xf32>,
      %get3A_1008 = vector.shape_cast %get3A_1007 : vector<1x16xf32> to vector<16xf32>
      %add3A_1009 = arith.addf %add3A_973, %get3A_1008 : vector<16xf32>
      %mul3A_1010 = arith.mulf %get3A_1008, %get3A_1008 : vector<16xf32>
      %add3A_1011 = arith.addf %add3A_975, %mul3A_1010 : vector<16xf32>
      %add3A_1012 = arith.constant 19 : i32
      %add3A_1013 = arith.addi %mul3A_301, %add3A_1012 : i32
      %get3A_1014 = arith.index_cast %add3A_1013 : i32 to index
      %get3A_1015 = arith.constant 48 : index
      %get3A_1016 = tpu.vector_load %arg9[%get3A_1014, %get3A_1015] {strides = array<i32>} : memref<832x64xf32, #tpu.memory_space<vmem>>, vector<1x16xf32>,
      %get3A_1017 = vector.shape_cast %get3A_1016 : vector<1x16xf32> to vector<16xf32>
      %add3A_1018 = arith.addf %add3A_982, %get3A_1017 : vector<16xf32>
      %mul3A_1019 = arith.mulf %get3A_1017, %get3A_1017 : vector<16xf32>
      %add3A_1020 = arith.addf %add3A_984, %mul3A_1019 : vector<16xf32>
      %add3A_1021 = arith.constant 20 : i32
      %add3A_1022 = arith.addi %mul3A_301, %add3A_1021 : i32
      %get3A_1023 = arith.index_cast %add3A_1022 : i32 to index
      %get3A_1024 = arith.constant 0 : index
      %get3A_1025 = tpu.vector_load %arg9[%get3A_1023, %get3A_1024] {strides = array<i32>} : memref<832x64xf32, #tpu.memory_space<vmem>>, vector<1x16xf32>,
      %get3A_1026 = vector.shape_cast %get3A_1025 : vector<1x16xf32> to vector<16xf32>
      %add3A_1027 = arith.addf %add3A_991, %get3A_1026 : vector<16xf32>
      %mul3A_1028 = arith.mulf %get3A_1026, %get3A_1026 : vector<16xf32>
      %add3A_1029 = arith.addf %add3A_993, %mul3A_1028 : vector<16xf32>
      %add3A_1030 = arith.constant 20 : i32
      %add3A_1031 = arith.addi %mul3A_301, %add3A_1030 : i32
      %get3A_1032 = arith.index_cast %add3A_1031 : i32 to index
      %get3A_1033 = arith.constant 16 : index
      %get3A_1034 = tpu.vector_load %arg9[%get3A_1032, %get3A_1033] {strides = array<i32>} : memref<832x64xf32, #tpu.memory_space<vmem>>, vector<1x16xf32>,
      %get3A_1035 = vector.shape_cast %get3A_1034 : vector<1x16xf32> to vector<16xf32>
      %add3A_1036 = arith.addf %add3A_1000, %get3A_1035 : vector<16xf32>
      %mul3A_1037 = arith.mulf %get3A_1035, %get3A_1035 : vector<16xf32>
      %add3A_1038 = arith.addf %add3A_1002, %mul3A_1037 : vector<16xf32>
      %add3A_1039 = arith.constant 20 : i32
      %add3A_1040 = arith.addi %mul3A_301, %add3A_1039 : i32
      %get3A_1041 = arith.index_cast %add3A_1040 : i32 to index
      %get3A_1042 = arith.constant 32 : index
      %get3A_1043 = tpu.vector_load %arg9[%get3A_1041, %get3A_1042] {strides = array<i32>} : memref<832x64xf32, #tpu.memory_space<vmem>>, vector<1x16xf32>,
      %get3A_1044 = vector.shape_cast %get3A_1043 : vector<1x16xf32> to vector<16xf32>
      %add3A_1045 = arith.addf %add3A_1009, %get3A_1044 : vector<16xf32>
      %mul3A_1046 = arith.mulf %get3A_1044, %get3A_1044 : vector<16xf32>
      %add3A_1047 = arith.addf %add3A_1011, %mul3A_1046 : vector<16xf32>
      %add3A_1048 = arith.constant 20 : i32
      %add3A_1049 = arith.addi %mul3A_301, %add3A_1048 : i32
      %get3A_1050 = arith.index_cast %add3A_1049 : i32 to index
      %get3A_1051 = arith.constant 48 : index
      %get3A_1052 = tpu.vector_load %arg9[%get3A_1050, %get3A_1051] {strides = array<i32>} : memref<832x64xf32, #tpu.memory_space<vmem>>, vector<1x16xf32>,
      %get3A_1053 = vector.shape_cast %get3A_1052 : vector<1x16xf32> to vector<16xf32>
      %add3A_1054 = arith.addf %add3A_1018, %get3A_1053 : vector<16xf32>
      %mul3A_1055 = arith.mulf %get3A_1053, %get3A_1053 : vector<16xf32>
      %add3A_1056 = arith.addf %add3A_1020, %mul3A_1055 : vector<16xf32>
      %add3A_1057 = arith.constant 21 : i32
      %add3A_1058 = arith.addi %mul3A_301, %add3A_1057 : i32
      %get3A_1059 = arith.index_cast %add3A_1058 : i32 to index
      %get3A_1060 = arith.constant 0 : index
      %get3A_1061 = tpu.vector_load %arg9[%get3A_1059, %get3A_1060] {strides = array<i32>} : memref<832x64xf32, #tpu.memory_space<vmem>>, vector<1x16xf32>,
      %get3A_1062 = vector.shape_cast %get3A_1061 : vector<1x16xf32> to vector<16xf32>
      %add3A_1063 = arith.addf %add3A_1027, %get3A_1062 : vector<16xf32>
      %mul3A_1064 = arith.mulf %get3A_1062, %get3A_1062 : vector<16xf32>
      %add3A_1065 = arith.addf %add3A_1029, %mul3A_1064 : vector<16xf32>
      %add3A_1066 = arith.constant 21 : i32
      %add3A_1067 = arith.addi %mul3A_301, %add3A_1066 : i32
      %get3A_1068 = arith.index_cast %add3A_1067 : i32 to index
      %get3A_1069 = arith.constant 16 : index
      %get3A_1070 = tpu.vector_load %arg9[%get3A_1068, %get3A_1069] {strides = array<i32>} : memref<832x64xf32, #tpu.memory_space<vmem>>, vector<1x16xf32>,
      %get3A_1071 = vector.shape_cast %get3A_1070 : vector<1x16xf32> to vector<16xf32>
      %add3A_1072 = arith.addf %add3A_1036, %get3A_1071 : vector<16xf32>
      %mul3A_1073 = arith.mulf %get3A_1071, %get3A_1071 : vector<16xf32>
      %add3A_1074 = arith.addf %add3A_1038, %mul3A_1073 : vector<16xf32>
      %add3A_1075 = arith.constant 21 : i32
      %add3A_1076 = arith.addi %mul3A_301, %add3A_1075 : i32
      %get3A_1077 = arith.index_cast %add3A_1076 : i32 to index
      %get3A_1078 = arith.constant 32 : index
      %get3A_1079 = tpu.vector_load %arg9[%get3A_1077, %get3A_1078] {strides = array<i32>} : memref<832x64xf32, #tpu.memory_space<vmem>>, vector<1x16xf32>,
      %get3A_1080 = vector.shape_cast %get3A_1079 : vector<1x16xf32> to vector<16xf32>
      %add3A_1081 = arith.addf %add3A_1045, %get3A_1080 : vector<16xf32>
      %mul3A_1082 = arith.mulf %get3A_1080, %get3A_1080 : vector<16xf32>
      %add3A_1083 = arith.addf %add3A_1047, %mul3A_1082 : vector<16xf32>
      %add3A_1084 = arith.constant 21 : i32
      %add3A_1085 = arith.addi %mul3A_301, %add3A_1084 : i32
      %get3A_1086 = arith.index_cast %add3A_1085 : i32 to index
      %get3A_1087 = arith.constant 48 : index
      %get3A_1088 = tpu.vector_load %arg9[%get3A_1086, %get3A_1087] {strides = array<i32>} : memref<832x64xf32, #tpu.memory_space<vmem>>, vector<1x16xf32>,
      %get3A_1089 = vector.shape_cast %get3A_1088 : vector<1x16xf32> to vector<16xf32>
      %add3A_1090 = arith.addf %add3A_1054, %get3A_1089 : vector<16xf32>
      %mul3A_1091 = arith.mulf %get3A_1089, %get3A_1089 : vector<16xf32>
      %add3A_1092 = arith.addf %add3A_1056, %mul3A_1091 : vector<16xf32>
      %add3A_1093 = arith.constant 22 : i32
      %add3A_1094 = arith.addi %mul3A_301, %add3A_1093 : i32
      %get3A_1095 = arith.index_cast %add3A_1094 : i32 to index
      %get3A_1096 = arith.constant 0 : index
      %get3A_1097 = tpu.vector_load %arg9[%get3A_1095, %get3A_1096] {strides = array<i32>} : memref<832x64xf32, #tpu.memory_space<vmem>>, vector<1x16xf32>,
      %get3A_1098 = vector.shape_cast %get3A_1097 : vector<1x16xf32> to vector<16xf32>
      %add3A_1099 = arith.addf %add3A_1063, %get3A_1098 : vector<16xf32>
      %mul3A_1100 = arith.mulf %get3A_1098, %get3A_1098 : vector<16xf32>
      %add3A_1101 = arith.addf %add3A_1065, %mul3A_1100 : vector<16xf32>
      %add3A_1102 = arith.constant 22 : i32
      %add3A_1103 = arith.addi %mul3A_301, %add3A_1102 : i32
      %get3A_1104 = arith.index_cast %add3A_1103 : i32 to index
      %get3A_1105 = arith.constant 16 : index
      %get3A_1106 = tpu.vector_load %arg9[%get3A_1104, %get3A_1105] {strides = array<i32>} : memref<832x64xf32, #tpu.memory_space<vmem>>, vector<1x16xf32>,
      %get3A_1107 = vector.shape_cast %get3A_1106 : vector<1x16xf32> to vector<16xf32>
      %add3A_1108 = arith.addf %add3A_1072, %get3A_1107 : vector<16xf32>
      %mul3A_1109 = arith.mulf %get3A_1107, %get3A_1107 : vector<16xf32>
      %add3A_1110 = arith.addf %add3A_1074, %mul3A_1109 : vector<16xf32>
      %add3A_1111 = arith.constant 22 : i32
      %add3A_1112 = arith.addi %mul3A_301, %add3A_1111 : i32
      %get3A_1113 = arith.index_cast %add3A_1112 : i32 to index
      %get3A_1114 = arith.constant 32 : index
      %get3A_1115 = tpu.vector_load %arg9[%get3A_1113, %get3A_1114] {strides = array<i32>} : memref<832x64xf32, #tpu.memory_space<vmem>>, vector<1x16xf32>,
      %get3A_1116 = vector.shape_cast %get3A_1115 : vector<1x16xf32> to vector<16xf32>
      %add3A_1117 = arith.addf %add3A_1081, %get3A_1116 : vector<16xf32>
      %mul3A_1118 = arith.mulf %get3A_1116, %get3A_1116 : vector<16xf32>
      %add3A_1119 = arith.addf %add3A_1083, %mul3A_1118 : vector<16xf32>
      %add3A_1120 = arith.constant 22 : i32
      %add3A_1121 = arith.addi %mul3A_301, %add3A_1120 : i32
      %get3A_1122 = arith.index_cast %add3A_1121 : i32 to index
      %get3A_1123 = arith.constant 48 : index
      %get3A_1124 = tpu.vector_load %arg9[%get3A_1122, %get3A_1123] {strides = array<i32>} : memref<832x64xf32, #tpu.memory_space<vmem>>, vector<1x16xf32>,
      %get3A_1125 = vector.shape_cast %get3A_1124 : vector<1x16xf32> to vector<16xf32>
      %add3A_1126 = arith.addf %add3A_1090, %get3A_1125 : vector<16xf32>
      %mul3A_1127 = arith.mulf %get3A_1125, %get3A_1125 : vector<16xf32>
      %add3A_1128 = arith.addf %add3A_1092, %mul3A_1127 : vector<16xf32>
      %add3A_1129 = arith.constant 23 : i32
      %add3A_1130 = arith.addi %mul3A_301, %add3A_1129 : i32
      %get3A_1131 = arith.index_cast %add3A_1130 : i32 to index
      %get3A_1132 = arith.constant 0 : index
      %get3A_1133 = tpu.vector_load %arg9[%get3A_1131, %get3A_1132] {strides = array<i32>} : memref<832x64xf32, #tpu.memory_space<vmem>>, vector<1x16xf32>,
      %get3A_1134 = vector.shape_cast %get3A_1133 : vector<1x16xf32> to vector<16xf32>
      %add3A_1135 = arith.addf %add3A_1099, %get3A_1134 : vector<16xf32>
      %mul3A_1136 = arith.mulf %get3A_1134, %get3A_1134 : vector<16xf32>
      %add3A_1137 = arith.addf %add3A_1101, %mul3A_1136 : vector<16xf32>
      %add3A_1138 = arith.constant 23 : i32
      %add3A_1139 = arith.addi %mul3A_301, %add3A_1138 : i32
      %get3A_1140 = arith.index_cast %add3A_1139 : i32 to index
      %get3A_1141 = arith.constant 16 : index
      %get3A_1142 = tpu.vector_load %arg9[%get3A_1140, %get3A_1141] {strides = array<i32>} : memref<832x64xf32, #tpu.memory_space<vmem>>, vector<1x16xf32>,
      %get3A_1143 = vector.shape_cast %get3A_1142 : vector<1x16xf32> to vector<16xf32>
      %add3A_1144 = arith.addf %add3A_1108, %get3A_1143 : vector<16xf32>
      %mul3A_1145 = arith.mulf %get3A_1143, %get3A_1143 : vector<16xf32>
      %add3A_1146 = arith.addf %add3A_1110, %mul3A_1145 : vector<16xf32>
      %add3A_1147 = arith.constant 23 : i32
      %add3A_1148 = arith.addi %mul3A_301, %add3A_1147 : i32
      %get3A_1149 = arith.index_cast %add3A_1148 : i32 to index
      %get3A_1150 = arith.constant 32 : index
      %get3A_1151 = tpu.vector_load %arg9[%get3A_1149, %get3A_1150] {strides = array<i32>} : memref<832x64xf32, #tpu.memory_space<vmem>>, vector<1x16xf32>,
      %get3A_1152 = vector.shape_cast %get3A_1151 : vector<1x16xf32> to vector<16xf32>
      %add3A_1153 = arith.addf %add3A_1117, %get3A_1152 : vector<16xf32>
      %mul3A_1154 = arith.mulf %get3A_1152, %get3A_1152 : vector<16xf32>
      %add3A_1155 = arith.addf %add3A_1119, %mul3A_1154 : vector<16xf32>
      %add3A_1156 = arith.constant 23 : i32
      %add3A_1157 = arith.addi %mul3A_301, %add3A_1156 : i32
      %get3A_1158 = arith.index_cast %add3A_1157 : i32 to index
      %get3A_1159 = arith.constant 48 : index
      %get3A_1160 = tpu.vector_load %arg9[%get3A_1158, %get3A_1159] {strides = array<i32>} : memref<832x64xf32, #tpu.memory_space<vmem>>, vector<1x16xf32>,
      %get3A_1161 = vector.shape_cast %get3A_1160 : vector<1x16xf32> to vector<16xf32>
      %add3A_1162 = arith.addf %add3A_1126, %get3A_1161 : vector<16xf32>
      %mul3A_1163 = arith.mulf %get3A_1161, %get3A_1161 : vector<16xf32>
      %add3A_1164 = arith.addf %add3A_1128, %mul3A_1163 : vector<16xf32>
      %add3A_1165 = arith.constant 24 : i32
      %add3A_1166 = arith.addi %mul3A_301, %add3A_1165 : i32
      %get3A_1167 = arith.index_cast %add3A_1166 : i32 to index
      %get3A_1168 = arith.constant 0 : index
      %get3A_1169 = tpu.vector_load %arg9[%get3A_1167, %get3A_1168] {strides = array<i32>} : memref<832x64xf32, #tpu.memory_space<vmem>>, vector<1x16xf32>,
      %get3A_1170 = vector.shape_cast %get3A_1169 : vector<1x16xf32> to vector<16xf32>
      %add3A_1171 = arith.addf %add3A_1135, %get3A_1170 : vector<16xf32>
      %mul3A_1172 = arith.mulf %get3A_1170, %get3A_1170 : vector<16xf32>
      %add3A_1173 = arith.addf %add3A_1137, %mul3A_1172 : vector<16xf32>
      %add3A_1174 = arith.constant 24 : i32
      %add3A_1175 = arith.addi %mul3A_301, %add3A_1174 : i32
      %get3A_1176 = arith.index_cast %add3A_1175 : i32 to index
      %get3A_1177 = arith.constant 16 : index
      %get3A_1178 = tpu.vector_load %arg9[%get3A_1176, %get3A_1177] {strides = array<i32>} : memref<832x64xf32, #tpu.memory_space<vmem>>, vector<1x16xf32>,
      %get3A_1179 = vector.shape_cast %get3A_1178 : vector<1x16xf32> to vector<16xf32>
      %add3A_1180 = arith.addf %add3A_1144, %get3A_1179 : vector<16xf32>
      %mul3A_1181 = arith.mulf %get3A_1179, %get3A_1179 : vector<16xf32>
      %add3A_1182 = arith.addf %add3A_1146, %mul3A_1181 : vector<16xf32>
      %add3A_1183 = arith.constant 24 : i32
      %add3A_1184 = arith.addi %mul3A_301, %add3A_1183 : i32
      %get3A_1185 = arith.index_cast %add3A_1184 : i32 to index
      %get3A_1186 = arith.constant 32 : index
      %get3A_1187 = tpu.vector_load %arg9[%get3A_1185, %get3A_1186] {strides = array<i32>} : memref<832x64xf32, #tpu.memory_space<vmem>>, vector<1x16xf32>,
      %get3A_1188 = vector.shape_cast %get3A_1187 : vector<1x16xf32> to vector<16xf32>
      %add3A_1189 = arith.addf %add3A_1153, %get3A_1188 : vector<16xf32>
      %mul3A_1190 = arith.mulf %get3A_1188, %get3A_1188 : vector<16xf32>
      %add3A_1191 = arith.addf %add3A_1155, %mul3A_1190 : vector<16xf32>
      %add3A_1192 = arith.constant 24 : i32
      %add3A_1193 = arith.addi %mul3A_301, %add3A_1192 : i32
      %get3A_1194 = arith.index_cast %add3A_1193 : i32 to index
      %get3A_1195 = arith.constant 48 : index
      %get3A_1196 = tpu.vector_load %arg9[%get3A_1194, %get3A_1195] {strides = array<i32>} : memref<832x64xf32, #tpu.memory_space<vmem>>, vector<1x16xf32>,
      %get3A_1197 = vector.shape_cast %get3A_1196 : vector<1x16xf32> to vector<16xf32>
      %add3A_1198 = arith.addf %add3A_1162, %get3A_1197 : vector<16xf32>
      %mul3A_1199 = arith.mulf %get3A_1197, %get3A_1197 : vector<16xf32>
      %add3A_1200 = arith.addf %add3A_1164, %mul3A_1199 : vector<16xf32>
      %add3A_1201 = arith.constant 25 : i32
      %add3A_1202 = arith.addi %mul3A_301, %add3A_1201 : i32
      %get3A_1203 = arith.index_cast %add3A_1202 : i32 to index
      %get3A_1204 = arith.constant 0 : index
      %get3A_1205 = tpu.vector_load %arg9[%get3A_1203, %get3A_1204] {strides = array<i32>} : memref<832x64xf32, #tpu.memory_space<vmem>>, vector<1x16xf32>,
      %get3A_1206 = vector.shape_cast %get3A_1205 : vector<1x16xf32> to vector<16xf32>
      %add3A_1207 = arith.addf %add3A_1171, %get3A_1206 : vector<16xf32>
      %mul3A_1208 = arith.mulf %get3A_1206, %get3A_1206 : vector<16xf32>
      %add3A_1209 = arith.addf %add3A_1173, %mul3A_1208 : vector<16xf32>
      %add3A_1210 = arith.constant 25 : i32
      %add3A_1211 = arith.addi %mul3A_301, %add3A_1210 : i32
      %get3A_1212 = arith.index_cast %add3A_1211 : i32 to index
      %get3A_1213 = arith.constant 16 : index
      %get3A_1214 = tpu.vector_load %arg9[%get3A_1212, %get3A_1213] {strides = array<i32>} : memref<832x64xf32, #tpu.memory_space<vmem>>, vector<1x16xf32>,
      %get3A_1215 = vector.shape_cast %get3A_1214 : vector<1x16xf32> to vector<16xf32>
      %add3A_1216 = arith.addf %add3A_1180, %get3A_1215 : vector<16xf32>
      %mul3A_1217 = arith.mulf %get3A_1215, %get3A_1215 : vector<16xf32>
      %add3A_1218 = arith.addf %add3A_1182, %mul3A_1217 : vector<16xf32>
      %add3A_1219 = arith.constant 25 : i32
      %add3A_1220 = arith.addi %mul3A_301, %add3A_1219 : i32
      %get3A_1221 = arith.index_cast %add3A_1220 : i32 to index
      %get3A_1222 = arith.constant 32 : index
      %get3A_1223 = tpu.vector_load %arg9[%get3A_1221, %get3A_1222] {strides = array<i32>} : memref<832x64xf32, #tpu.memory_space<vmem>>, vector<1x16xf32>,
      %get3A_1224 = vector.shape_cast %get3A_1223 : vector<1x16xf32> to vector<16xf32>
      %add3A_1225 = arith.addf %add3A_1189, %get3A_1224 : vector<16xf32>
      %mul3A_1226 = arith.mulf %get3A_1224, %get3A_1224 : vector<16xf32>
      %add3A_1227 = arith.addf %add3A_1191, %mul3A_1226 : vector<16xf32>
      %add3A_1228 = arith.constant 25 : i32
      %add3A_1229 = arith.addi %mul3A_301, %add3A_1228 : i32
      %get3A_1230 = arith.index_cast %add3A_1229 : i32 to index
      %get3A_1231 = arith.constant 48 : index
      %get3A_1232 = tpu.vector_load %arg9[%get3A_1230, %get3A_1231] {strides = array<i32>} : memref<832x64xf32, #tpu.memory_space<vmem>>, vector<1x16xf32>,
      %get3A_1233 = vector.shape_cast %get3A_1232 : vector<1x16xf32> to vector<16xf32>
      %add3A_1234 = arith.addf %add3A_1198, %get3A_1233 : vector<16xf32>
      %mul3A_1235 = arith.mulf %get3A_1233, %get3A_1233 : vector<16xf32>
      %add3A_1236 = arith.addf %add3A_1200, %mul3A_1235 : vector<16xf32>
      %swap3A = arith.index_cast %scan3A_298 : i32 to index
      %swap3A_1237 = arith.constant 0 : index
      %swap3A_1238 = tpu.vector_load %arg11[%swap3A, %swap3A_1237] {strides = array<i32>} : memref<32x64xf32, #tpu.memory_space<vmem>>, vector<1x16xf32>,
      %swap3A_1239 = vector.shape_cast %swap3A_1238 : vector<1x16xf32> to vector<16xf32>
      %swap3A_1240 = vector.shape_cast %add3A_1207 : vector<16xf32> to vector<1x16xf32>
      tpu.vector_store %arg11[%swap3A, %swap3A_1237], %swap3A_1240 {strides = array<i32>} : memref<32x64xf32, #tpu.memory_space<vmem>>, vector<1x16xf32>,
      %swap3A_1241 = arith.index_cast %scan3A_298 : i32 to index
      %swap3A_1242 = arith.constant 0 : index
      %swap3A_1243 = tpu.vector_load %arg12[%swap3A_1241, %swap3A_1242] {strides = array<i32>} : memref<32x64xf32, #tpu.memory_space<vmem>>, vector<1x16xf32>,
      %swap3A_1244 = vector.shape_cast %swap3A_1243 : vector<1x16xf32> to vector<16xf32>
      %swap3A_1245 = vector.shape_cast %add3A_1209 : vector<16xf32> to vector<1x16xf32>
      tpu.vector_store %arg12[%swap3A_1241, %swap3A_1242], %swap3A_1245 {strides = array<i32>} : memref<32x64xf32, #tpu.memory_space<vmem>>, vector<1x16xf32>,
      %swap3A_1246 = arith.index_cast %scan3A_298 : i32 to index
      %swap3A_1247 = arith.constant 16 : index
      %swap3A_1248 = tpu.vector_load %arg11[%swap3A_1246, %swap3A_1247] {strides = array<i32>} : memref<32x64xf32, #tpu.memory_space<vmem>>, vector<1x16xf32>,
      %swap3A_1249 = vector.shape_cast %swap3A_1248 : vector<1x16xf32> to vector<16xf32>
      %swap3A_1250 = vector.shape_cast %add3A_1216 : vector<16xf32> to vector<1x16xf32>
      tpu.vector_store %arg11[%swap3A_1246, %swap3A_1247], %swap3A_1250 {strides = array<i32>} : memref<32x64xf32, #tpu.memory_space<vmem>>, vector<1x16xf32>,
      %swap3A_1251 = arith.index_cast %scan3A_298 : i32 to index
      %swap3A_1252 = arith.constant 16 : index
      %swap3A_1253 = tpu.vector_load %arg12[%swap3A_1251, %swap3A_1252] {strides = array<i32>} : memref<32x64xf32, #tpu.memory_space<vmem>>, vector<1x16xf32>,
      %swap3A_1254 = vector.shape_cast %swap3A_1253 : vector<1x16xf32> to vector<16xf32>
      %swap3A_1255 = vector.shape_cast %add3A_1218 : vector<16xf32> to vector<1x16xf32>
      tpu.vector_store %arg12[%swap3A_1251, %swap3A_1252], %swap3A_1255 {strides = array<i32>} : memref<32x64xf32, #tpu.memory_space<vmem>>, vector<1x16xf32>,
      %swap3A_1256 = arith.index_cast %scan3A_298 : i32 to index
      %swap3A_1257 = arith.constant 32 : index
      %swap3A_1258 = tpu.vector_load %arg11[%swap3A_1256, %swap3A_1257] {strides = array<i32>} : memref<32x64xf32, #tpu.memory_space<vmem>>, vector<1x16xf32>,
      %swap3A_1259 = vector.shape_cast %swap3A_1258 : vector<1x16xf32> to vector<16xf32>
      %swap3A_1260 = vector.shape_cast %add3A_1225 : vector<16xf32> to vector<1x16xf32>
      tpu.vector_store %arg11[%swap3A_1256, %swap3A_1257], %swap3A_1260 {strides = array<i32>} : memref<32x64xf32, #tpu.memory_space<vmem>>, vector<1x16xf32>,
      %swap3A_1261 = arith.index_cast %scan3A_298 : i32 to index
      %swap3A_1262 = arith.constant 32 : index
      %swap3A_1263 = tpu.vector_load %arg12[%swap3A_1261, %swap3A_1262] {strides = array<i32>} : memref<32x64xf32, #tpu.memory_space<vmem>>, vector<1x16xf32>,
      %swap3A_1264 = vector.shape_cast %swap3A_1263 : vector<1x16xf32> to vector<16xf32>
      %swap3A_1265 = vector.shape_cast %add3A_1227 : vector<16xf32> to vector<1x16xf32>
      tpu.vector_store %arg12[%swap3A_1261, %swap3A_1262], %swap3A_1265 {strides = array<i32>} : memref<32x64xf32, #tpu.memory_space<vmem>>, vector<1x16xf32>,
      %swap3A_1266 = arith.index_cast %scan3A_298 : i32 to index
      %swap3A_1267 = arith.constant 48 : index
      %swap3A_1268 = tpu.vector_load %arg11[%swap3A_1266, %swap3A_1267] {strides = array<i32>} : memref<32x64xf32, #tpu.memory_space<vmem>>, vector<1x16xf32>,
      %swap3A_1269 = vector.shape_cast %swap3A_1268 : vector<1x16xf32> to vector<16xf32>
      %swap3A_1270 = vector.shape_cast %add3A_1234 : vector<16xf32> to vector<1x16xf32>
      tpu.vector_store %arg11[%swap3A_1266, %swap3A_1267], %swap3A_1270 {strides = array<i32>} : memref<32x64xf32, #tpu.memory_space<vmem>>, vector<1x16xf32>,
      %swap3A_1271 = arith.index_cast %scan3A_298 : i32 to index
      %swap3A_1272 = arith.constant 48 : index
      %swap3A_1273 = tpu.vector_load %arg12[%swap3A_1271, %swap3A_1272] {strides = array<i32>} : memref<32x64xf32, #tpu.memory_space<vmem>>, vector<1x16xf32>,
      %swap3A_1274 = vector.shape_cast %swap3A_1273 : vector<1x16xf32> to vector<16xf32>
      %swap3A_1275 = vector.shape_cast %add3A_1236 : vector<16xf32> to vector<1x16xf32>
      tpu.vector_store %arg12[%swap3A_1271, %swap3A_1272], %swap3A_1275 {strides = array<i32>} : memref<32x64xf32, #tpu.memory_space<vmem>>, vector<1x16xf32>,
      %scan3A_1276 = arith.constant 0 : i32
      scf.yield %scan3A_1276 : i32
    }
    %scan3A_297 = arith.constant 32 : i32
    "tpu.region"() ({
      %run_scoped3A = tpu.sem_alloc : memref<!tpu.dma_semaphore, #tpu.memory_space<semaphore_mem>>
      %dma_start3A_298 = arith.constant 0 : i32
      %dma_start3A_299 = tpu.memref_slice %arg5[%mul3A_2, %dma_start3A_298] : memref<1024x64xf32, #tpu.memory_space<hbm>> -> memref<32x64xf32, #tpu.memory_space<hbm>>
      %dma_start3A_300 = arith.constant 0 : i32
      %dma_start3A_301 = tpu.memref_slice %arg5[%mul3A_2, %dma_start3A_300] : memref<1024x64xf32, #tpu.memory_space<hbm>> -> memref<32x64xf32, #tpu.memory_space<hbm>>
      tpu.enqueue_dma source(%arg11 : memref<32x64xf32, #tpu.memory_space<vmem>>) target(%dma_start3A_301 : memref<32x64xf32, #tpu.memory_space<hbm>>) target_semaphore(%run_scoped3A : memref<!tpu.dma_semaphore, #tpu.memory_space<semaphore_mem>>)
      %dma_wait3A_302 = arith.constant 0 : i32
      %dma_wait3A_303 = tpu.memref_slice %arg5[%mul3A_2, %dma_wait3A_302] : memref<1024x64xf32, #tpu.memory_space<hbm>> -> memref<32x64xf32, #tpu.memory_space<hbm>>
      %dma_wait3A_304 = arith.constant 0 : i32
      %dma_wait3A_305 = tpu.memref_slice %arg5[%mul3A_2, %dma_wait3A_304] : memref<1024x64xf32, #tpu.memory_space<hbm>> -> memref<32x64xf32, #tpu.memory_space<hbm>>
      tpu.wait_dma2 semaphore(%run_scoped3A : memref<!tpu.dma_semaphore, #tpu.memory_space<semaphore_mem>>) src(%arg11 : memref<32x64xf32, #tpu.memory_space<vmem>>) dst(%dma_wait3A_305 : memref<32x64xf32, #tpu.memory_space<hbm>>)
      tpu.yield
    }) : () -> ()
    "tpu.region"() ({
      %run_scoped3A = tpu.sem_alloc : memref<!tpu.dma_semaphore, #tpu.memory_space<semaphore_mem>>
      %dma_start3A_298 = arith.constant 0 : i32
      %dma_start3A_299 = tpu.memref_slice %arg6[%mul3A_2, %dma_start3A_298] : memref<1024x64xf32, #tpu.memory_space<hbm>> -> memref<32x64xf32, #tpu.memory_space<hbm>>
      %dma_start3A_300 = arith.constant 0 : i32
      %dma_start3A_301 = tpu.memref_slice %arg6[%mul3A_2, %dma_start3A_300] : memref<1024x64xf32, #tpu.memory_space<hbm>> -> memref<32x64xf32, #tpu.memory_space<hbm>>
      tpu.enqueue_dma source(%arg12 : memref<32x64xf32, #tpu.memory_space<vmem>>) target(%dma_start3A_301 : memref<32x64xf32, #tpu.memory_space<hbm>>) target_semaphore(%run_scoped3A : memref<!tpu.dma_semaphore, #tpu.memory_space<semaphore_mem>>)
      %dma_wait3A_302 = arith.constant 0 : i32
      %dma_wait3A_303 = tpu.memref_slice %arg6[%mul3A_2, %dma_wait3A_302] : memref<1024x64xf32, #tpu.memory_space<hbm>> -> memref<32x64xf32, #tpu.memory_space<hbm>>
      %dma_wait3A_304 = arith.constant 0 : i32
      %dma_wait3A_305 = tpu.memref_slice %arg6[%mul3A_2, %dma_wait3A_304] : memref<1024x64xf32, #tpu.memory_space<hbm>> -> memref<32x64xf32, #tpu.memory_space<hbm>>
      tpu.wait_dma2 semaphore(%run_scoped3A : memref<!tpu.dma_semaphore, #tpu.memory_space<semaphore_mem>>) src(%arg12 : memref<32x64xf32, #tpu.memory_space<vmem>>) dst(%dma_wait3A_305 : memref<32x64xf32, #tpu.memory_space<hbm>>)
      tpu.yield
    }) : () -> ()
    return
  }
}

module attributes {stable_mosaic.version = 14 : i64} {
  func.func @_tc_num_body(%arg0: memref<1024x13xi32, #tpu.memory_space<vmem>>, %arg1: memref<13x64xf32, #tpu.memory_space<vmem>>, %arg2: memref<1x13xf32, #tpu.memory_space<vmem>>, %arg3: memref<1024x64xf32, #tpu.memory_space<vmem>>, %arg4: memref<1024x64xf32, #tpu.memory_space<vmem>>, %arg5: memref<1024x1xf32, #tpu.memory_space<vmem>>) attributes {dimension_semantics = [], scalar_prefetch = 0 : i64, scratch_operands = 0 : i64, tpu.core_type = #tpu.core_type<tc>} {
    %get3A = arith.constant 0 : index
    %get3A_0 = arith.constant 0 : index
    %get3A_1 = vector.load %arg0[%get3A, %get3A_0] : memref<1024x13xi32, #tpu.memory_space<vmem>>, vector<1024x13xi32>
    %eq3A = arith.constant 0 : i32
    %eq3A_2 = vector.broadcast %eq3A : i32 to vector<1024x13xi32>
    %eq3A_3 = arith.cmpi eq, %get3A_1, %eq3A_2 : vector<1024x13xi32>
    %jit3A = arith.constant 1.000000e+00 : f32
    %jit3A_4 = arith.constant 0.000000e+00 : f32
    %broadcast_in_dim3A = vector.broadcast %jit3A : f32 to vector<1024x13xf32>
    %broadcast_in_dim3A_5 = vector.broadcast %jit3A_4 : f32 to vector<1024x13xf32>
    %select_n3A = arith.select %eq3A_3, %broadcast_in_dim3A, %broadcast_in_dim3A_5 : vector<1024x13xi1>, vector<1024x13xf32>
    %reduce_sum3A = arith.constant dense<0.000000e+00> : vector<1024xf32>
    %reduce_sum3A_6 = vector.multi_reduction <add>, %select_n3A, %reduce_sum3A [1] : vector<1024x13xf32> to vector<1024xf32>
    %broadcast_in_dim3A_7 = vector.shape_cast %reduce_sum3A_6 : vector<1024xf32> to vector<1024x1xf32>
    %eq3A_8 = arith.constant 1 : i32
    %eq3A_9 = vector.broadcast %eq3A_8 : i32 to vector<1024x13xi32>
    %eq3A_10 = arith.cmpi eq, %get3A_1, %eq3A_9 : vector<1024x13xi32>
    %jit3A_11 = arith.constant 1.000000e+00 : f32
    %jit3A_12 = arith.constant 0.000000e+00 : f32
    %broadcast_in_dim3A_13 = vector.broadcast %jit3A_11 : f32 to vector<1024x13xf32>
    %broadcast_in_dim3A_14 = vector.broadcast %jit3A_12 : f32 to vector<1024x13xf32>
    %select_n3A_15 = arith.select %eq3A_10, %broadcast_in_dim3A_13, %broadcast_in_dim3A_14 : vector<1024x13xi1>, vector<1024x13xf32>
    %reduce_sum3A_16 = arith.constant dense<0.000000e+00> : vector<1024xf32>
    %reduce_sum3A_17 = vector.multi_reduction <add>, %select_n3A_15, %reduce_sum3A_16 [1] : vector<1024x13xf32> to vector<1024xf32>
    %broadcast_in_dim3A_18 = vector.shape_cast %reduce_sum3A_17 : vector<1024xf32> to vector<1024x1xf32>
    %eq3A_19 = arith.constant 2 : i32
    %eq3A_20 = vector.broadcast %eq3A_19 : i32 to vector<1024x13xi32>
    %eq3A_21 = arith.cmpi eq, %get3A_1, %eq3A_20 : vector<1024x13xi32>
    %jit3A_22 = arith.constant 1.000000e+00 : f32
    %jit3A_23 = arith.constant 0.000000e+00 : f32
    %broadcast_in_dim3A_24 = vector.broadcast %jit3A_22 : f32 to vector<1024x13xf32>
    %broadcast_in_dim3A_25 = vector.broadcast %jit3A_23 : f32 to vector<1024x13xf32>
    %select_n3A_26 = arith.select %eq3A_21, %broadcast_in_dim3A_24, %broadcast_in_dim3A_25 : vector<1024x13xi1>, vector<1024x13xf32>
    %reduce_sum3A_27 = arith.constant dense<0.000000e+00> : vector<1024xf32>
    %reduce_sum3A_28 = vector.multi_reduction <add>, %select_n3A_26, %reduce_sum3A_27 [1] : vector<1024x13xf32> to vector<1024xf32>
    %broadcast_in_dim3A_29 = vector.shape_cast %reduce_sum3A_28 : vector<1024xf32> to vector<1024x1xf32>
    %eq3A_30 = arith.constant 3 : i32
    %eq3A_31 = vector.broadcast %eq3A_30 : i32 to vector<1024x13xi32>
    %eq3A_32 = arith.cmpi eq, %get3A_1, %eq3A_31 : vector<1024x13xi32>
    %jit3A_33 = arith.constant 1.000000e+00 : f32
    %jit3A_34 = arith.constant 0.000000e+00 : f32
    %broadcast_in_dim3A_35 = vector.broadcast %jit3A_33 : f32 to vector<1024x13xf32>
    %broadcast_in_dim3A_36 = vector.broadcast %jit3A_34 : f32 to vector<1024x13xf32>
    %select_n3A_37 = arith.select %eq3A_32, %broadcast_in_dim3A_35, %broadcast_in_dim3A_36 : vector<1024x13xi1>, vector<1024x13xf32>
    %reduce_sum3A_38 = arith.constant dense<0.000000e+00> : vector<1024xf32>
    %reduce_sum3A_39 = vector.multi_reduction <add>, %select_n3A_37, %reduce_sum3A_38 [1] : vector<1024x13xf32> to vector<1024xf32>
    %broadcast_in_dim3A_40 = vector.shape_cast %reduce_sum3A_39 : vector<1024xf32> to vector<1024x1xf32>
    %eq3A_41 = arith.constant 4 : i32
    %eq3A_42 = vector.broadcast %eq3A_41 : i32 to vector<1024x13xi32>
    %eq3A_43 = arith.cmpi eq, %get3A_1, %eq3A_42 : vector<1024x13xi32>
    %jit3A_44 = arith.constant 1.000000e+00 : f32
    %jit3A_45 = arith.constant 0.000000e+00 : f32
    %broadcast_in_dim3A_46 = vector.broadcast %jit3A_44 : f32 to vector<1024x13xf32>
    %broadcast_in_dim3A_47 = vector.broadcast %jit3A_45 : f32 to vector<1024x13xf32>
    %select_n3A_48 = arith.select %eq3A_43, %broadcast_in_dim3A_46, %broadcast_in_dim3A_47 : vector<1024x13xi1>, vector<1024x13xf32>
    %reduce_sum3A_49 = arith.constant dense<0.000000e+00> : vector<1024xf32>
    %reduce_sum3A_50 = vector.multi_reduction <add>, %select_n3A_48, %reduce_sum3A_49 [1] : vector<1024x13xf32> to vector<1024xf32>
    %broadcast_in_dim3A_51 = vector.shape_cast %reduce_sum3A_50 : vector<1024xf32> to vector<1024x1xf32>
    %eq3A_52 = arith.constant 5 : i32
    %eq3A_53 = vector.broadcast %eq3A_52 : i32 to vector<1024x13xi32>
    %eq3A_54 = arith.cmpi eq, %get3A_1, %eq3A_53 : vector<1024x13xi32>
    %jit3A_55 = arith.constant 1.000000e+00 : f32
    %jit3A_56 = arith.constant 0.000000e+00 : f32
    %broadcast_in_dim3A_57 = vector.broadcast %jit3A_55 : f32 to vector<1024x13xf32>
    %broadcast_in_dim3A_58 = vector.broadcast %jit3A_56 : f32 to vector<1024x13xf32>
    %select_n3A_59 = arith.select %eq3A_54, %broadcast_in_dim3A_57, %broadcast_in_dim3A_58 : vector<1024x13xi1>, vector<1024x13xf32>
    %reduce_sum3A_60 = arith.constant dense<0.000000e+00> : vector<1024xf32>
    %reduce_sum3A_61 = vector.multi_reduction <add>, %select_n3A_59, %reduce_sum3A_60 [1] : vector<1024x13xf32> to vector<1024xf32>
    %broadcast_in_dim3A_62 = vector.shape_cast %reduce_sum3A_61 : vector<1024xf32> to vector<1024x1xf32>
    %eq3A_63 = arith.constant 6 : i32
    %eq3A_64 = vector.broadcast %eq3A_63 : i32 to vector<1024x13xi32>
    %eq3A_65 = arith.cmpi eq, %get3A_1, %eq3A_64 : vector<1024x13xi32>
    %jit3A_66 = arith.constant 1.000000e+00 : f32
    %jit3A_67 = arith.constant 0.000000e+00 : f32
    %broadcast_in_dim3A_68 = vector.broadcast %jit3A_66 : f32 to vector<1024x13xf32>
    %broadcast_in_dim3A_69 = vector.broadcast %jit3A_67 : f32 to vector<1024x13xf32>
    %select_n3A_70 = arith.select %eq3A_65, %broadcast_in_dim3A_68, %broadcast_in_dim3A_69 : vector<1024x13xi1>, vector<1024x13xf32>
    %reduce_sum3A_71 = arith.constant dense<0.000000e+00> : vector<1024xf32>
    %reduce_sum3A_72 = vector.multi_reduction <add>, %select_n3A_70, %reduce_sum3A_71 [1] : vector<1024x13xf32> to vector<1024xf32>
    %broadcast_in_dim3A_73 = vector.shape_cast %reduce_sum3A_72 : vector<1024xf32> to vector<1024x1xf32>
    %eq3A_74 = arith.constant 7 : i32
    %eq3A_75 = vector.broadcast %eq3A_74 : i32 to vector<1024x13xi32>
    %eq3A_76 = arith.cmpi eq, %get3A_1, %eq3A_75 : vector<1024x13xi32>
    %jit3A_77 = arith.constant 1.000000e+00 : f32
    %jit3A_78 = arith.constant 0.000000e+00 : f32
    %broadcast_in_dim3A_79 = vector.broadcast %jit3A_77 : f32 to vector<1024x13xf32>
    %broadcast_in_dim3A_80 = vector.broadcast %jit3A_78 : f32 to vector<1024x13xf32>
    %select_n3A_81 = arith.select %eq3A_76, %broadcast_in_dim3A_79, %broadcast_in_dim3A_80 : vector<1024x13xi1>, vector<1024x13xf32>
    %reduce_sum3A_82 = arith.constant dense<0.000000e+00> : vector<1024xf32>
    %reduce_sum3A_83 = vector.multi_reduction <add>, %select_n3A_81, %reduce_sum3A_82 [1] : vector<1024x13xf32> to vector<1024xf32>
    %broadcast_in_dim3A_84 = vector.shape_cast %reduce_sum3A_83 : vector<1024xf32> to vector<1024x1xf32>
    %eq3A_85 = arith.constant 8 : i32
    %eq3A_86 = vector.broadcast %eq3A_85 : i32 to vector<1024x13xi32>
    %eq3A_87 = arith.cmpi eq, %get3A_1, %eq3A_86 : vector<1024x13xi32>
    %jit3A_88 = arith.constant 1.000000e+00 : f32
    %jit3A_89 = arith.constant 0.000000e+00 : f32
    %broadcast_in_dim3A_90 = vector.broadcast %jit3A_88 : f32 to vector<1024x13xf32>
    %broadcast_in_dim3A_91 = vector.broadcast %jit3A_89 : f32 to vector<1024x13xf32>
    %select_n3A_92 = arith.select %eq3A_87, %broadcast_in_dim3A_90, %broadcast_in_dim3A_91 : vector<1024x13xi1>, vector<1024x13xf32>
    %reduce_sum3A_93 = arith.constant dense<0.000000e+00> : vector<1024xf32>
    %reduce_sum3A_94 = vector.multi_reduction <add>, %select_n3A_92, %reduce_sum3A_93 [1] : vector<1024x13xf32> to vector<1024xf32>
    %broadcast_in_dim3A_95 = vector.shape_cast %reduce_sum3A_94 : vector<1024xf32> to vector<1024x1xf32>
    %eq3A_96 = arith.constant 9 : i32
    %eq3A_97 = vector.broadcast %eq3A_96 : i32 to vector<1024x13xi32>
    %eq3A_98 = arith.cmpi eq, %get3A_1, %eq3A_97 : vector<1024x13xi32>
    %jit3A_99 = arith.constant 1.000000e+00 : f32
    %jit3A_100 = arith.constant 0.000000e+00 : f32
    %broadcast_in_dim3A_101 = vector.broadcast %jit3A_99 : f32 to vector<1024x13xf32>
    %broadcast_in_dim3A_102 = vector.broadcast %jit3A_100 : f32 to vector<1024x13xf32>
    %select_n3A_103 = arith.select %eq3A_98, %broadcast_in_dim3A_101, %broadcast_in_dim3A_102 : vector<1024x13xi1>, vector<1024x13xf32>
    %reduce_sum3A_104 = arith.constant dense<0.000000e+00> : vector<1024xf32>
    %reduce_sum3A_105 = vector.multi_reduction <add>, %select_n3A_103, %reduce_sum3A_104 [1] : vector<1024x13xf32> to vector<1024xf32>
    %broadcast_in_dim3A_106 = vector.shape_cast %reduce_sum3A_105 : vector<1024xf32> to vector<1024x1xf32>
    %eq3A_107 = arith.constant 10 : i32
    %eq3A_108 = vector.broadcast %eq3A_107 : i32 to vector<1024x13xi32>
    %eq3A_109 = arith.cmpi eq, %get3A_1, %eq3A_108 : vector<1024x13xi32>
    %jit3A_110 = arith.constant 1.000000e+00 : f32
    %jit3A_111 = arith.constant 0.000000e+00 : f32
    %broadcast_in_dim3A_112 = vector.broadcast %jit3A_110 : f32 to vector<1024x13xf32>
    %broadcast_in_dim3A_113 = vector.broadcast %jit3A_111 : f32 to vector<1024x13xf32>
    %select_n3A_114 = arith.select %eq3A_109, %broadcast_in_dim3A_112, %broadcast_in_dim3A_113 : vector<1024x13xi1>, vector<1024x13xf32>
    %reduce_sum3A_115 = arith.constant dense<0.000000e+00> : vector<1024xf32>
    %reduce_sum3A_116 = vector.multi_reduction <add>, %select_n3A_114, %reduce_sum3A_115 [1] : vector<1024x13xf32> to vector<1024xf32>
    %broadcast_in_dim3A_117 = vector.shape_cast %reduce_sum3A_116 : vector<1024xf32> to vector<1024x1xf32>
    %eq3A_118 = arith.constant 11 : i32
    %eq3A_119 = vector.broadcast %eq3A_118 : i32 to vector<1024x13xi32>
    %eq3A_120 = arith.cmpi eq, %get3A_1, %eq3A_119 : vector<1024x13xi32>
    %jit3A_121 = arith.constant 1.000000e+00 : f32
    %jit3A_122 = arith.constant 0.000000e+00 : f32
    %broadcast_in_dim3A_123 = vector.broadcast %jit3A_121 : f32 to vector<1024x13xf32>
    %broadcast_in_dim3A_124 = vector.broadcast %jit3A_122 : f32 to vector<1024x13xf32>
    %select_n3A_125 = arith.select %eq3A_120, %broadcast_in_dim3A_123, %broadcast_in_dim3A_124 : vector<1024x13xi1>, vector<1024x13xf32>
    %reduce_sum3A_126 = arith.constant dense<0.000000e+00> : vector<1024xf32>
    %reduce_sum3A_127 = vector.multi_reduction <add>, %select_n3A_125, %reduce_sum3A_126 [1] : vector<1024x13xf32> to vector<1024xf32>
    %broadcast_in_dim3A_128 = vector.shape_cast %reduce_sum3A_127 : vector<1024xf32> to vector<1024x1xf32>
    %eq3A_129 = arith.constant 12 : i32
    %eq3A_130 = vector.broadcast %eq3A_129 : i32 to vector<1024x13xi32>
    %eq3A_131 = arith.cmpi eq, %get3A_1, %eq3A_130 : vector<1024x13xi32>
    %jit3A_132 = arith.constant 1.000000e+00 : f32
    %jit3A_133 = arith.constant 0.000000e+00 : f32
    %broadcast_in_dim3A_134 = vector.broadcast %jit3A_132 : f32 to vector<1024x13xf32>
    %broadcast_in_dim3A_135 = vector.broadcast %jit3A_133 : f32 to vector<1024x13xf32>
    %select_n3A_136 = arith.select %eq3A_131, %broadcast_in_dim3A_134, %broadcast_in_dim3A_135 : vector<1024x13xi1>, vector<1024x13xf32>
    %reduce_sum3A_137 = arith.constant dense<0.000000e+00> : vector<1024xf32>
    %reduce_sum3A_138 = vector.multi_reduction <add>, %select_n3A_136, %reduce_sum3A_137 [1] : vector<1024x13xf32> to vector<1024xf32>
    %broadcast_in_dim3A_139 = vector.shape_cast %reduce_sum3A_138 : vector<1024xf32> to vector<1024x1xf32>
    %concatenate3A = tpu.concatenate %broadcast_in_dim3A_7, %broadcast_in_dim3A_18, %broadcast_in_dim3A_29, %broadcast_in_dim3A_40, %broadcast_in_dim3A_51, %broadcast_in_dim3A_62, %broadcast_in_dim3A_73, %broadcast_in_dim3A_84, %broadcast_in_dim3A_95, %broadcast_in_dim3A_106, %broadcast_in_dim3A_117, %broadcast_in_dim3A_128, %broadcast_in_dim3A_139 in 1 : vector<1024x1xf32>, vector<1024x1xf32>, vector<1024x1xf32>, vector<1024x1xf32>, vector<1024x1xf32>, vector<1024x1xf32>, vector<1024x1xf32>, vector<1024x1xf32>, vector<1024x1xf32>, vector<1024x1xf32>, vector<1024x1xf32>, vector<1024x1xf32>, vector<1024x1xf32> -> vector<1024x13xf32>
    %get3A_140 = arith.constant 0 : index
    %get3A_141 = arith.constant 0 : index
    %get3A_142 = vector.load %arg1[%get3A_140, %get3A_141] : memref<13x64xf32, #tpu.memory_space<vmem>>, vector<13x64xf32>
    %dot_general3A = arith.constant dense<0.000000e+00> : vector<1024x64xf32>
    %dot_general3A_143 = tpu.matmul %concatenate3A, %get3A_142, %dot_general3A {dimension_numbers = #tpu.dot_dimension_numbers<[1], [0], [0], [1], [0, 0, 1, 1], [], []>, transpose_lhs_hint = false} : vector<1024x13xf32>, vector<13x64xf32>, vector<1024x64xf32> -> vector<1024x64xf32>
    %swap3A = arith.constant 0 : index
    %swap3A_144 = arith.constant 0 : index
    %swap3A_145 = vector.load %arg3[%swap3A, %swap3A_144] : memref<1024x64xf32, #tpu.memory_space<vmem>>, vector<1024x64xf32>
    tpu.vector_store %arg3[%swap3A, %swap3A_144], %dot_general3A_143 {strides = array<i32>} : memref<1024x64xf32, #tpu.memory_space<vmem>>, vector<1024x64xf32>,
    %mul3A = arith.mulf %get3A_142, %get3A_142 : vector<13x64xf32>
    %dot_general3A_146 = arith.constant dense<0.000000e+00> : vector<1024x64xf32>
    %dot_general3A_147 = tpu.matmul %concatenate3A, %mul3A, %dot_general3A_146 {dimension_numbers = #tpu.dot_dimension_numbers<[1], [0], [0], [1], [0, 0, 1, 1], [], []>, transpose_lhs_hint = false} : vector<1024x13xf32>, vector<13x64xf32>, vector<1024x64xf32> -> vector<1024x64xf32>
    %swap3A_148 = arith.constant 0 : index
    %swap3A_149 = arith.constant 0 : index
    %swap3A_150 = vector.load %arg4[%swap3A_148, %swap3A_149] : memref<1024x64xf32, #tpu.memory_space<vmem>>, vector<1024x64xf32>
    tpu.vector_store %arg4[%swap3A_148, %swap3A_149], %dot_general3A_147 {strides = array<i32>} : memref<1024x64xf32, #tpu.memory_space<vmem>>, vector<1024x64xf32>,
    %convert_element_type3A = arith.sitofp %get3A_1 : vector<1024x13xi32> to vector<1024x13xf32>
    %get3A_151 = arith.constant 0 : index
    %get3A_152 = arith.constant 0 : index
    %get3A_153 = vector.load %arg2[%get3A_151, %get3A_152] : memref<1x13xf32, #tpu.memory_space<vmem>>, vector<1x13xf32>
    %mul3A_154 = vector.broadcast %get3A_153 : vector<1x13xf32> to vector<1024x13xf32>
    %mul3A_155 = arith.mulf %convert_element_type3A, %mul3A_154 : vector<1024x13xf32>
    %reduce_sum3A_156 = arith.constant dense<0.000000e+00> : vector<1024xf32>
    %reduce_sum3A_157 = vector.multi_reduction <add>, %mul3A_155, %reduce_sum3A_156 [1] : vector<1024x13xf32> to vector<1024xf32>
    %broadcast_in_dim3A_158 = vector.shape_cast %reduce_sum3A_157 : vector<1024xf32> to vector<1024x1xf32>
    %swap3A_159 = arith.constant 0 : index
    %swap3A_160 = arith.constant 0 : index
    %swap3A_161 = vector.load %arg5[%swap3A_159, %swap3A_160] : memref<1024x1xf32, #tpu.memory_space<vmem>>, vector<1024x1xf32>
    tpu.vector_store %arg5[%swap3A_159, %swap3A_160], %broadcast_in_dim3A_158 {strides = array<i32>} : memref<1024x1xf32, #tpu.memory_space<vmem>>, vector<1024x1xf32>,
    return
  }
}

module attributes {stable_mosaic.version = 14 : i64} {
  func.func @_tc_main_body(%arg0: memref<1024x64xf32, #tpu.memory_space<vmem>>, %arg1: memref<1024x64xf32, #tpu.memory_space<vmem>>, %arg2: memref<1024x64xf32, #tpu.memory_space<vmem>>, %arg3: memref<1024x64xf32, #tpu.memory_space<vmem>>, %arg4: memref<1024x26xf32, #tpu.memory_space<vmem>>, %arg5: memref<1024x1xf32, #tpu.memory_space<vmem>>, %arg6: memref<64x256xf32, #tpu.memory_space<vmem>>, %arg7: memref<1x256xf32, #tpu.memory_space<vmem>>, %arg8: memref<256x128xf32, #tpu.memory_space<vmem>>, %arg9: memref<1x128xf32, #tpu.memory_space<vmem>>, %arg10: memref<1x128xf32, #tpu.memory_space<vmem>>, %arg11: memref<1x1xf32, #tpu.memory_space<vmem>>, %arg12: memref<1024x1xf32, #tpu.memory_space<vmem>>) attributes {dimension_semantics = [], scalar_prefetch = 0 : i64, scratch_operands = 0 : i64, tpu.core_type = #tpu.core_type<tc>} {
    %get3A = arith.constant 0 : index
    %get3A_0 = arith.constant 0 : index
    %get3A_1 = vector.load %arg0[%get3A, %get3A_0] : memref<1024x64xf32, #tpu.memory_space<vmem>>, vector<1024x64xf32>
    %get3A_2 = arith.constant 0 : index
    %get3A_3 = arith.constant 0 : index
    %get3A_4 = vector.load %arg2[%get3A_2, %get3A_3] : memref<1024x64xf32, #tpu.memory_space<vmem>>, vector<1024x64xf32>
    %add3A = arith.addf %get3A_1, %get3A_4 : vector<1024x64xf32>
    %get3A_5 = arith.constant 0 : index
    %get3A_6 = arith.constant 0 : index
    %get3A_7 = vector.load %arg1[%get3A_5, %get3A_6] : memref<1024x64xf32, #tpu.memory_space<vmem>>, vector<1024x64xf32>
    %get3A_8 = arith.constant 0 : index
    %get3A_9 = arith.constant 0 : index
    %get3A_10 = vector.load %arg3[%get3A_8, %get3A_9] : memref<1024x64xf32, #tpu.memory_space<vmem>>, vector<1024x64xf32>
    %add3A_11 = arith.addf %get3A_7, %get3A_10 : vector<1024x64xf32>
    %mul3A = arith.mulf %add3A, %add3A : vector<1024x64xf32>
    %sub3A = arith.subf %mul3A, %add3A_11 : vector<1024x64xf32>
    %mul3A_12 = arith.constant 5.000000e-01 : f32
    %mul3A_13 = vector.broadcast %mul3A_12 : f32 to vector<1024x64xf32>
    %mul3A_14 = arith.mulf %mul3A_13, %sub3A : vector<1024x64xf32>
    %get3A_15 = arith.constant 0 : index
    %get3A_16 = arith.constant 0 : index
    %get3A_17 = vector.load %arg6[%get3A_15, %get3A_16] : memref<64x256xf32, #tpu.memory_space<vmem>>, vector<64x256xf32>
    %dot_general3A = arith.constant dense<0.000000e+00> : vector<1024x256xf32>
    %dot_general3A_18 = tpu.matmul %mul3A_14, %get3A_17, %dot_general3A {dimension_numbers = #tpu.dot_dimension_numbers<[1], [0], [0], [1], [0, 0, 1, 1], [], []>, transpose_lhs_hint = false} : vector<1024x64xf32>, vector<64x256xf32>, vector<1024x256xf32> -> vector<1024x256xf32>
    %get3A_19 = arith.constant 0 : index
    %get3A_20 = arith.constant 0 : index
    %get3A_21 = vector.load %arg7[%get3A_19, %get3A_20] : memref<1x256xf32, #tpu.memory_space<vmem>>, vector<1x256xf32>
    %add3A_22 = vector.broadcast %get3A_21 : vector<1x256xf32> to vector<1024x256xf32>
    %add3A_23 = arith.addf %dot_general3A_18, %add3A_22 : vector<1024x256xf32>
    %max3A = arith.constant 0.000000e+00 : f32
    %max3A_24 = vector.broadcast %max3A : f32 to vector<1024x256xf32>
    %max3A_25 = arith.maximumf %add3A_23, %max3A_24 : vector<1024x256xf32>
    %get3A_26 = arith.constant 0 : index
    %get3A_27 = arith.constant 0 : index
    %get3A_28 = vector.load %arg8[%get3A_26, %get3A_27] : memref<256x128xf32, #tpu.memory_space<vmem>>, vector<256x128xf32>
    %dot_general3A_29 = arith.constant dense<0.000000e+00> : vector<1024x128xf32>
    %dot_general3A_30 = tpu.matmul %max3A_25, %get3A_28, %dot_general3A_29 {dimension_numbers = #tpu.dot_dimension_numbers<[1], [0], [0], [1], [0, 0, 1, 1], [], []>, transpose_lhs_hint = false} : vector<1024x256xf32>, vector<256x128xf32>, vector<1024x128xf32> -> vector<1024x128xf32>
    %get3A_31 = arith.constant 0 : index
    %get3A_32 = arith.constant 0 : index
    %get3A_33 = vector.load %arg9[%get3A_31, %get3A_32] : memref<1x128xf32, #tpu.memory_space<vmem>>, vector<1x128xf32>
    %add3A_34 = vector.broadcast %get3A_33 : vector<1x128xf32> to vector<1024x128xf32>
    %add3A_35 = arith.addf %dot_general3A_30, %add3A_34 : vector<1024x128xf32>
    %max3A_36 = arith.constant 0.000000e+00 : f32
    %max3A_37 = vector.broadcast %max3A_36 : f32 to vector<1024x128xf32>
    %max3A_38 = arith.maximumf %add3A_35, %max3A_37 : vector<1024x128xf32>
    %get3A_39 = arith.constant 0 : index
    %get3A_40 = arith.constant 0 : index
    %get3A_41 = vector.load %arg10[%get3A_39, %get3A_40] : memref<1x128xf32, #tpu.memory_space<vmem>>, vector<1x128xf32>
    %mul3A_42 = vector.broadcast %get3A_41 : vector<1x128xf32> to vector<1024x128xf32>
    %mul3A_43 = arith.mulf %max3A_38, %mul3A_42 : vector<1024x128xf32>
    %reduce_sum3A = arith.constant dense<0.000000e+00> : vector<1024xf32>
    %reduce_sum3A_44 = vector.multi_reduction <add>, %mul3A_43, %reduce_sum3A [1] : vector<1024x128xf32> to vector<1024xf32>
    %broadcast_in_dim3A = vector.shape_cast %reduce_sum3A_44 : vector<1024xf32> to vector<1024x1xf32>
    %get3A_45 = arith.constant 0 : index
    %get3A_46 = arith.constant 0 : index
    %get3A_47 = vector.load %arg4[%get3A_45, %get3A_46] : memref<1024x26xf32, #tpu.memory_space<vmem>>, vector<1024x26xf32>
    %reduce_sum3A_48 = arith.constant dense<0.000000e+00> : vector<1024xf32>
    %reduce_sum3A_49 = vector.multi_reduction <add>, %get3A_47, %reduce_sum3A_48 [1] : vector<1024x26xf32> to vector<1024xf32>
    %broadcast_in_dim3A_50 = vector.shape_cast %reduce_sum3A_49 : vector<1024xf32> to vector<1024x1xf32>
    %add3A_51 = arith.addf %broadcast_in_dim3A, %broadcast_in_dim3A_50 : vector<1024x1xf32>
    %get3A_52 = arith.constant 0 : index
    %get3A_53 = arith.constant 0 : index
    %get3A_54 = vector.load %arg5[%get3A_52, %get3A_53] : memref<1024x1xf32, #tpu.memory_space<vmem>>, vector<1024x1xf32>
    %add3A_55 = arith.addf %add3A_51, %get3A_54 : vector<1024x1xf32>
    %get3A_56 = arith.constant 0 : index
    %get3A_57 = arith.constant 0 : index
    %get3A_58 = vector.load %arg11[%get3A_56, %get3A_57] : memref<1x1xf32, #tpu.memory_space<vmem>>, vector<1x1xf32>
    %get3A_59 = vector.extract %get3A_58[0, 0] : f32 from vector<1x1xf32>
    %add3A_60 = vector.broadcast %get3A_59 : f32 to vector<1024x1xf32>
    %add3A_61 = arith.addf %add3A_55, %add3A_60 : vector<1024x1xf32>
    %swap3A = arith.constant 0 : index
    %swap3A_62 = arith.constant 0 : index
    %swap3A_63 = vector.load %arg12[%swap3A, %swap3A_62] : memref<1024x1xf32, #tpu.memory_space<vmem>>, vector<1024x1xf32>
    tpu.vector_store %arg12[%swap3A, %swap3A_62], %add3A_61 {strides = array<i32>} : memref<1024x1xf32, #tpu.memory_space<vmem>>, vector<1024x1xf32>,
    return
  }
}

</mosaic_0001>

<sc_bundles>
// kernel: kernel.5.cloned.1.call-start
scs
__scs_entry_jumppad:
0x0: {  	(pc) =	sbr.rel $0x88, $3  }
0x1: {  	(tag) =	ssettag $0x0;
	lr =	simm.s32 $0x1  }
0x2: {  	[smem:$0x3F95] =	sst lr;
	_ =	strace $0xD0000000  }
0x3: {  	_ = 	snop  }
0x4: {  	_ = 	snop  }
0x5: {  	_ = 	snop  }
0x6: {  	_ = 	snop  }
0x7: {  	_ = 	snop  }
__scs_overlays_trampoline_lowered:
0x8: {  	[smem:$0x3FA4] =	sst s0  }
0x9: {  	[smem:$0x3FA5] =	sst s1  }
0xa: {  	[smem:$0x3FA6] =	sst s2  }
0xb: {  	[smem:$0x3FA7] =	sst s3  }
0xc: {  	[smem:$0x3FA8] =	sst s4  }
0xd: {  	[smem:$0x3FA9] =	sst s5  }
0xe: {  	[smem:$0x3FAA] =	sst s6  }
0xf: {  	[smem:$0x3FAB] =	sst s7  }
0x10: {  	[smem:$0x3FAC] =	sst s8  }
0x11: {  	[smem:$0x3FAD] =	sst s9;
	s0 =	simm.s32 @!p0 $0x0  }
0x12: {  	s1 =	sld [smem:$0x3F93];
	s0 =	simm.s32 @p0 $0x1  }
0x13: {  	[smem:$0x3FAE] =	sst s0;
	s0 =	simm.s32 @!p1 $0x0  }
0x14: {  	s2 =	sld [smem:$0x3F92];
	s0 =	simm.s32 @p1 $0x1  }
0x15: {  	[smem:$0x3FAF] =	sst s0;
	s0 =	simm.s32 @!p2 $0x0  }
0x16: {  	s3 =	sld [smem:$0x3FDB];
	s0 =	simm.s32 @p2 $0x1  }
0x17: {  	s4 =	simm.s32 $0x1BF5;
	[smem:$0x3FB1] =	sst s0  }
0x18: {  	s0 =	sld [smem:$0x3F94];
	_ =	swait.ge [sflag:s4], $0x0  }
0x19: {  	s7 =	sld [smem:$0x3F95]  }
0x1a: {  	s8 =	sadd.s32 $0xFFFFE003, lr  }
0x1b: {  	s9 =	sadd.s32 $0xFFFFFEF7, lr;
	s5 =	simm.s32 $0xFFFFFFFF;
	p2 =	slt.u32 s8, $0xFFFFF086  }
0x1c: {  	p1 =	slt.u32 s9, $0xF7A;
	s5 =	simm.s32 @!p2 $0x0  }
0x1d: {  	s5 =	simm.s32 @p1 $0x1;
	p0 =	seq.s32 s7, s2  }
0x1e: {  	s7 =	smul.u32 @!p0 $0xF7A, s2;
	p2 =	seq.s32 @!p0 s5, $0x0  }
0x1f: {  	s9 =	smul.u32 $0xF7A, s1;
	s8 =	simm.s32 @!p0 $0x1BF5;
	p2 =	por !p2, p0  }
0x20: {  	[sflag:s8] =	ssyncset.s32 @!p0 $0xFFFFF086;
	s6 =	sadd.s32 @!p0 s3, s7;
	s7 =	simm.s32 @!p0 $0x108  }
0x21: {  	s3 =	sadd.s32 s3, s9;
	s6 =	sadd.s32 @!p0 $0x88, s6;
	s7 =	simm.s32 @p2 $0x1082  }
0x22: {  	[simem:s7], [sflag:s8] =	dma.local @!p0 [hbm:s6], $0xF7A  }
0x23: {  	s9 =	sor.u32 $0xD0000000, s2;
	s6 =	simm.s32 $0x108;
	_ =	swait.ge @!p0 [sflag:s8], $0x0  }
0x24: {  	s3 =	sadd.s32 $0x88, s3;
	s6 =	simm.s32 @!p1 $0x1082;
	[sflag:s4] =	ssyncset.s32 $0xFFFFF086  }
0x25: {  	[simem:s6], [sflag:s4] =	dma.local [hbm:s3], $0xF7A  }
0x26: {  	[smem:$0x3F95] =	sst s1;
	(tag) =	ssettag s2;
	_ =	strace s9  }
0x27: {  	s1 =	sld [smem:$0x3FA5]  }
0x28: {  	s2 =	sld [smem:$0x3FA6]  }
0x29: {  	s4 =	sld [smem:$0x3FA8]  }
0x2a: {  	p0 =	seq.s32 s5, $0x0;
	s5 =	sld [smem:$0x3FA9]  }
0x2b: {  	s6 =	sld [smem:$0x3FAA]  }
0x2c: {  	s7 =	sld [smem:$0x3FAB]  }
0x2d: {  	s3 =	simm.s32 $0x108;
	s8 =	sld [smem:$0x3FAC]  }
0x2e: {  	s3 =	simm.s32 @!p0 $0x1082;
	s9 =	sld [smem:$0x3FAD]  }
0x2f: {  	lr =	sadd.s32 s0, s3;
	s0 =	sld [smem:$0x3FA4]  }
0x30: {  	s3 =	sld [smem:$0x3FA7]  }
0x31: {  	[smem:$0x3FB0] =	sst s10  }
0x32: {  	s10 =	sld [smem:$0x3FAE];
	_ =	sdelay $0x3  }
0x33: {  	p0 =	seq.s32 s10, $0x1;
	s10 =	sld [smem:$0x3FB0];
	_ =	sdelay $0x3  }
0x34: {  	[smem:$0x3FB0] =	sst s10  }
0x35: {  	s10 =	sld [smem:$0x3FAF];
	_ =	sdelay $0x3  }
0x36: {  	p1 =	seq.s32 s10, $0x1;
	s10 =	sld [smem:$0x3FB0];
	_ =	sdelay $0x3  }
0x37: {  	[smem:$0x3FB0] =	sst s10  }
0x38: {  	s10 =	sld [smem:$0x3FB1]  }
0x39: {  	_ = 	snop;
	(pc) =	sbr.ind lr, $3  }
0x3a: {  	_ = 	snop  }
0x3b: {  	_ = 	snop  }
0x3c: {  	p2 =	seq.s32 s10, $0x1;
	s10 =	sld [smem:$0x3FB0]  }
0x3d: {  	_ =	shalt  }
0x3e: {  	_ =	shalt  }
0x3f: {  	_ =	shalt  }
0x40: {  	_ =	shalt  }
0x41: {  	_ =	shalt  }
0x42: {  	_ =	shalt  }
0x43: {  	_ =	shalt  }
0x44: {  	_ =	shalt  }
0x45: {  	_ =	shalt  }
0x46: {  	_ =	shalt  }
0x47: {  	_ =	shalt  }
0x48: {  	_ =	shalt  }
0x49: {  	_ =	shalt  }
0x4a: {  	_ =	shalt  }
0x4b: {  	_ =	shalt  }
0x4c: {  	_ =	shalt  }
0x4d: {  	_ =	shalt  }
0x4e: {  	_ =	shalt  }
0x4f: {  	_ =	shalt  }
0x50: {  	_ =	shalt  }
0x51: {  	_ =	shalt  }
0x52: {  	_ =	shalt  }
0x53: {  	_ =	shalt  }
0x54: {  	_ =	shalt  }
0x55: {  	_ =	shalt  }
0x56: {  	_ =	shalt  }
0x57: {  	_ =	shalt  }
0x58: {  	_ =	shalt  }
0x59: {  	_ =	shalt  }
0x5a: {  	_ =	shalt  }
0x5b: {  	_ =	shalt  }
0x5c: {  	_ =	shalt  }
0x5d: {  	_ =	shalt  }
0x5e: {  	_ =	shalt  }
0x5f: {  	_ =	shalt  }
0x60: {  	_ =	shalt  }
0x61: {  	_ =	shalt  }
0x62: {  	_ =	shalt  }
0x63: {  	_ =	shalt  }
0x64: {  	_ =	shalt  }
0x65: {  	_ =	shalt  }
0x66: {  	_ =	shalt  }
0x67: {  	_ =	shalt  }
0x68: {  	_ =	shalt  }
0x69: {  	_ =	shalt  }
0x6a: {  	_ =	shalt  }
0x6b: {  	_ =	shalt  }
0x6c: {  	_ =	shalt  }
0x6d: {  	_ =	shalt  }
0x6e: {  	_ =	shalt  }
0x6f: {  	_ =	shalt  }
0x70: {  	_ =	shalt  }
0x71: {  	_ =	shalt  }
0x72: {  	_ =	shalt  }
0x73: {  	_ =	shalt  }
0x74: {  	_ =	shalt  }
0x75: {  	_ =	shalt  }
0x76: {  	_ =	shalt  }
0x77: {  	_ =	shalt  }
0x78: {  	_ =	shalt  }
0x79: {  	_ =	shalt  }
0x7a: {  	_ =	shalt  }
0x7b: {  	_ =	shalt  }
0x7c: {  	_ =	shalt  }
0x7d: {  	_ =	shalt  }
0x7e: {  	_ =	shalt  }
0x7f: {  	_ =	shalt  }
0x80: {  	_ =	shalt  }
0x81: {  	_ =	shalt  }
0x82: {  	_ =	shalt  }
0x83: {  	_ =	shalt  }
0x84: {  	_ =	shalt  }
0x85: {  	_ =	shalt  }
0x86: {  	_ =	shalt  }
0x87: {  	_ =	shalt  }
.Lfunc_end0:
.L_simem_size_0:
called_computation_lowered:
.L_overlay_start_0:
0x88: {  	s2 =	sld [smem:$0x3FD9]  }
0x89: {  	s3 =	sld [smem:$0x3FFE];
	_ =	sdelay $0x1  }
0x8a: {  	s1 =	srdreg.scid  }
0x8b: {  	s0 =	sand.u32 $0x1, s1  }
0x8c: {  	s16 =	sshll.u32 s0, $0xA;
	s2 =	sadd.s32 s3, s2  }
0x8d: {  	s2 =	sadd.s32 s2, s16  }
0x8e: {  	[smem:$0x3FBC] =	sst s2  }
0x8f: {  	_ = 	snop  }
0x90: {  	(tm) =	ssettm $0x1  }
0x91: {  	s17 =	sld [smem:$0x3FFB];
	_ =	sdelay $0x3  }
0x92: {  	_ =	strace s17  }
0x93: {  	s2 =	sld [smem:$0x3FFC];
	_ =	sdelay $0x3  }
0x94: {  	_ =	strace s2  }
0x95: {  	s2 =	sld [smem:$0x3FFD];
	_ =	sdelay $0x3  }
0x96: {  	_ =	strace s2  }
0x97: {  	_ =	strace $0x8FFFFFFF  }
0x98: {  	s18 =	sld [smem:$0x3FDB];
	_ =	sdelay $0x1  }
0x99: {  	s19 =	simm.s32 $_scs_section_size  }
0x9a: {  	s4 =	simm.s32 $_size__tile_overlayer_lowered;
	s5 =	simm.s32 $_tile_overlayer_lowered  }
0x9b: {  	s22 =	simm.s32 $0x1BFF;
	s21 =	sshll.u32 s5, $0x1;
	s2 =	sadd.s32 s19, s18  }
0x9c: {  	s6 =	simm.s32 $0x0;
	s20 =	sshll.u32 s4, $0x1;
	s4 =	sadd.s32 s21, s2  }
0x9d: {  	[timem:s6], [sflag:s22] =	dma.local [hbm:s4], s20  }
0x9e: {  	_ =	swait.ge [sflag:s22], s20  }
0x9f: {  	s3 =	ssub.s32 $0x0, s20;
	[sflag:s22] =	ssyncset.done $0x0  }
0xa0: {  	[sflag:s22] =	ssyncadd.s32 s3;
	_ =	sdelay $0x1  }
0xa1: {  	s23 =	simm.s32 $0x1B8B  }
0xa2: {  	_ =	swait.ge [sflag:s23], $0x1  }
0xa3: {  	[sflag:s23] =	ssyncset.done $0x0  }
0xa4: {  	s25 =	simm.s32 $0x1B8E;
	s24 =	sld [smem:$0x3FFE];
	[sflag:s23] =	ssyncadd.s32 $0xFFFFFFFF  }
0xa5: {  	s26 =	simm.s32 $execute0_lowered;
	[smem:$0x3FD2] =	sst s25  }
0xa6: {  	s4 =	sshll.u32 s26, $0x1;
	_ =	strace $0x80000046;
	[dreg:$0x1] =	wrdreg $0xFFFFFFFF  }
0xa7: {  	s28 =	simm.s32 $_size_execute0_lowered;
	s2 =	sadd.s32 s2, s4;
	[dreg:$0x0] =	wrdreg $0x0  }
0xa8: {  	s4 =	sshll.u32 s28, $0x1;
	[dreg:$0x2] =	wrdreg s2  }
0xa9: {  	[dreg:$0x3] =	wrdreg s4  }
0xaa: {  	[dreg:$0x4] =	wrdreg $0xC0  }
0xab: {  	_ =	task [dreg:s6], $0x5FFFF  }
0xac: {  	[dreg:$0x1] =	wrdreg $0xFFFFFFFF  }
0xad: {  	[dreg:$0x0] =	wrdreg $0x60  }
0xae: {  	[dreg:$0x2] =	wrdreg s24  }
0xaf: {  	[dreg:$0x3] =	wrdreg $0x9  }
0xb0: {  	_ =	task.clear_ibuf [dreg:s6], $0x4FFFF;
	_ =	strace $0x90000046  }
0xb1: {  	s29 =	simm.s32 $0x9;
	_ =	strace $0x80000048  }
0xb2: {  	_ =	swait.ge [sflag:s29], $0x1  }
0xb3: {  	[sflag:s29] =	ssyncadd.s32 $0xFFFFFFFF  }
0xb4: {  	_ =	strace $0x90000048  }
0xb5: {  	_ =	sfence  }
0xb6: {  	s30 =	sld [smem:$0x0];
	_ =	sdelay $0x2  }
0xb7: {  	s31 =	sshll.u32 s1, $0xD;
	s1 =	sshrl.u32 s1, $0x2  }
0xb8: {  	s3 =	sand.u32 $0x4000, s31;
	s1 =	sadd.s32 s1, s30  }
0xb9: {  	s0 =	sor.u32 s3, s0;
	s1 =	sshll.u32 s1, $0x11  }
0xba: {  	s0 =	sor.u32 s1, s0  }
0xbb: {  	s0 =	sadd.s32 $0x8F2B, s0  }
0xbc: {  	[sflag:s0] =	ssyncadd.remote.s32 $0x1  }
0xbd: {  	_ =	sfence.sel $0xFFFF  }
0xbe: {  	[dreg:$0x0] =	wrdreg $0xFFFFFFFF;
	(pc) =	sbr.abs _section_cstart, $3  }
0xbf: {  	[dreg:$0x1] =	wrdreg $0xFFFFFFFF  }
0xc0: {  	_ =	task.clear_ibuf [dreg:s6], $0x2FFFF;
	_ =	strace $0x9FFFFFFF  }
0xc1: {  	(tm) =	ssettm $0x7FFFFFFF  }
tec
execute0_lowered:
.L_overlay_start_1:
0x0: {  	(tag) =	ssettag $0x1  }
0x1: {  	s0 =	rddreg [dreg:$0x0]  }
0x2: {  	s2 =	simm.s32 $0x0;
	s1 =	srdreg.scid;
	s3 =	stileid.u32  }
0x3: {  	s10 =	simm.s32 $0x2;
	s11 =	simm.s32 $0x68;
	s14 =	simm.s32 $0xD0  }
0x4: {  	s16 =	simm.s32 $0x138;
	s18 =	simm.s32 $0x1A0;
	s20 =	simm.s32 $0x208  }
0x5: {  	s22 =	simm.s32 $0x270;
	s24 =	simm.s32 $0x2D8;
	s26 =	simm.s32 $0xD340  }
0x6: {  	s28 =	simm.s32 $0xD3A8;
	s29 =	simm.s32 $0xD410;
	s30 =	simm.s32 $0xD478  }
0x7: {  	s31 =	simm.s32 $0xD4E0;
	s12 =	simm.s32 $0xD618;
	s13 =	simm.s32 $0x1  }
0x8: {  	s15 =	simm.s32 $0xD680;
	s17 =	simm.s32 $0xDE80;
	s19 =	simm.s32 $0x0  }
0x9: {  	[smem:$0x7FF] =	sst s2;
	s1 =	sand.u32 $0x1, s1;
	s3 =	sshll.u32 s3, $0x1  }
0xa: {  	s4 =	sadd.s32 $0x35400, s0;
	_ =	strace $0x80000047;
	s5 =	sor.u32 s1, s3  }
0xb: {  	s1 =	ssub.s32 $0x2, s1;
	s6 =	smul.u32 $0x68, s5;
	s5 =	sshll.u32 s5, $0x8  }
0xc: {  	s3 =	sadd.s32 $0x1800, s0;
	s7 =	sshrl.u32 s1, $0x1;
	s8 =	sadd.s32 s5, s0  }
0xd: {  	s1 =	ssub.s32 s1, s7;
	s0 =	sadd.s32 s6, s0;
	s7 =	sadd.s32 $0x38200, s8  }
0xe: {  	s8 =	sadd.s32 $0x36200, s8;
	s9 =	smax.u32 s1, $0x1;
	s1 =	simm.s32 $0xD5B0  }
0xf: {  	s5 =	sadd.s32 $0x34600, s0;
	s6 =	sadd.s32 $0x3A200, s0;
	s0 =	simm.s32 $0xD548  }
.LBB2_1:
0x10: {  	[tilespmem:s2], [sflag:$0x2] =	stream.linear.gather [hbm4b:s5+s2], $0x340, $0x38;
	[tilespmem:$0xE680] =	vst v63  }
0x11: {  	_ =	swait.ge [sflag:s10], $0x340  }
0x12: {  	[sflag:s10] =	ssyncset.done $0x0  }
0x13: {  	s21 =	simm.s32 $0x340;
	[sflag:s10] =	ssyncadd.s32 $0xFFFFFCC0  }
0x14: {  	[tilespmem:s21], [sflag:$0x1] =	stream.indirect.gather [hbm4b:s3+s11], $0x40, s2, s11, $0xb8;
	[tilespmem:$0xE680] =	vst v63  }
0x15: {  	s25 =	simm.s32 $0x1D40  }
0x16: {  	[tilespmem:s25], [sflag:$0x1] =	stream.indirect.gather [hbm4b:s3+s11], $0x40, s11, s11, $0xb8;
	[tilespmem:$0xE680] =	vst v63  }
0x17: {  	s23 =	simm.s32 $0x3740  }
0x18: {  	[tilespmem:s23], [sflag:$0x1] =	stream.indirect.gather [hbm4b:s3+s11], $0x40, s14, s11, $0xb8;
	[tilespmem:$0xE680] =	vst v63  }
0x19: {  	s25 =	simm.s32 $0x5140  }
0x1a: {  	[tilespmem:s25], [sflag:$0x1] =	stream.indirect.gather [hbm4b:s3+s11], $0x40, s16, s11, $0xb8;
	[tilespmem:$0xE680] =	vst v63  }
0x1b: {  	s23 =	simm.s32 $0x6B40  }
0x1c: {  	[tilespmem:s23], [sflag:$0x1] =	stream.indirect.gather [hbm4b:s3+s11], $0x40, s18, s11, $0xb8;
	[tilespmem:$0xE680] =	vst v63  }
0x1d: {  	s25 =	simm.s32 $0x8540  }
0x1e: {  	[tilespmem:s25], [sflag:$0x1] =	stream.indirect.gather [hbm4b:s3+s11], $0x40, s20, s11, $0xb8;
	[tilespmem:$0xE680] =	vst v63  }
0x1f: {  	s23 =	simm.s32 $0x9F40  }
0x20: {  	[tilespmem:s23], [sflag:$0x1] =	stream.indirect.gather [hbm4b:s3+s11], $0x40, s22, s11, $0xb8;
	[tilespmem:$0xE680] =	vst v63  }
0x21: {  	s25 =	simm.s32 $0xB940  }
0x22: {  	[tilespmem:s25], [sflag:$0x1] =	stream.indirect.gather [hbm4b:s3+s11], $0x40, s24, s11, $0xb8;
	[tilespmem:$0xE680] =	vst v63  }
0x23: {  	_ = 	snop  }
0x24: {  	[tilespmem:s26], [sflag:$0x1] =	stream.indirect.gather [hbm4b:s4+s11], $0x1, s2, s11, $0xb8;
	[tilespmem:$0xE680] =	vst v63  }
0x25: {  	_ = 	snop  }
0x26: {  	[tilespmem:s28], [sflag:$0x1] =	stream.indirect.gather [hbm4b:s4+s11], $0x1, s11, s11, $0xb8;
	[tilespmem:$0xE680] =	vst v63  }
0x27: {  	_ = 	snop  }
0x28: {  	[tilespmem:s29], [sflag:$0x1] =	stream.indirect.gather [hbm4b:s4+s11], $0x1, s14, s11, $0xb8;
	[tilespmem:$0xE680] =	vst v63  }
0x29: {  	_ = 	snop  }
0x2a: {  	[tilespmem:s30], [sflag:$0x1] =	stream.indirect.gather [hbm4b:s4+s11], $0x1, s16, s11, $0xb8;
	[tilespmem:$0xE680] =	vst v63  }
0x2b: {  	_ = 	snop  }
0x2c: {  	[tilespmem:s31], [sflag:$0x1] =	stream.indirect.gather [hbm4b:s4+s11], $0x1, s18, s11, $0xb8;
	[tilespmem:$0xE680] =	vst v63  }
0x2d: {  	_ = 	snop  }
0x2e: {  	[tilespmem:s0], [sflag:$0x1] =	stream.indirect.gather [hbm4b:s4+s11], $0x1, s20, s11, $0xb8;
	[tilespmem:$0xE680] =	vst v63  }
0x2f: {  	_ = 	snop  }
0x30: {  	[tilespmem:s1], [sflag:$0x1] =	stream.indirect.gather [hbm4b:s4+s11], $0x1, s22, s11, $0xb8;
	[tilespmem:$0xE680] =	vst v63  }
0x31: {  	_ = 	snop  }
0x32: {  	[tilespmem:s12], [sflag:$0x1] =	stream.indirect.gather [hbm4b:s4+s11], $0x1, s24, s11, $0xb8;
	[tilespmem:$0xE680] =	vst v63  }
0x33: {  	_ =	swait.ge [sflag:s13], $0x1A00  }
0x34: {  	[sflag:s13] =	ssyncset.done $0x0  }
0x35: {  	[sflag:s13] =	ssyncadd.s32 $0xFFFFE600  }
0x36: {  	_ =	swait.ge [sflag:s13], $0x1A00  }
0x37: {  	[sflag:s13] =	ssyncset.done $0x0  }
0x38: {  	[sflag:s13] =	ssyncadd.s32 $0xFFFFE600  }
0x39: {  	_ =	swait.ge [sflag:s13], $0x1A00  }
0x3a: {  	[sflag:s13] =	ssyncset.done $0x0  }
0x3b: {  	[sflag:s13] =	ssyncadd.s32 $0xFFFFE600  }
0x3c: {  	_ =	swait.ge [sflag:s13], $0x1A00  }
0x3d: {  	[sflag:s13] =	ssyncset.done $0x0  }
0x3e: {  	[sflag:s13] =	ssyncadd.s32 $0xFFFFE600  }
0x3f: {  	_ =	swait.ge [sflag:s13], $0x1A00  }
0x40: {  	[sflag:s13] =	ssyncset.done $0x0  }
0x41: {  	[sflag:s13] =	ssyncadd.s32 $0xFFFFE600  }
0x42: {  	_ =	swait.ge [sflag:s13], $0x1A00  }
0x43: {  	[sflag:s13] =	ssyncset.done $0x0  }
0x44: {  	[sflag:s13] =	ssyncadd.s32 $0xFFFFE600  }
0x45: {  	_ =	swait.ge [sflag:s13], $0x1A00  }
0x46: {  	[sflag:s13] =	ssyncset.done $0x0  }
0x47: {  	[sflag:s13] =	ssyncadd.s32 $0xFFFFE600  }
0x48: {  	_ =	swait.ge [sflag:s13], $0x1A00  }
0x49: {  	[sflag:s13] =	ssyncset.done $0x0  }
0x4a: {  	[sflag:s13] =	ssyncadd.s32 $0xFFFFE600  }
0x4b: {  	_ =	swait.ge [sflag:s13], $0x68  }
0x4c: {  	[sflag:s13] =	ssyncset.done $0x0  }
0x4d: {  	[sflag:s13] =	ssyncadd.s32 $0xFFFFFF98  }
0x4e: {  	_ =	swait.ge [sflag:s13], $0x68  }
0x4f: {  	[sflag:s13] =	ssyncset.done $0x0  }
0x50: {  	[sflag:s13] =	ssyncadd.s32 $0xFFFFFF98  }
0x51: {  	_ =	swait.ge [sflag:s13], $0x68  }
0x52: {  	[sflag:s13] =	ssyncset.done $0x0  }
0x53: {  	[sflag:s13] =	ssyncadd.s32 $0xFFFFFF98  }
0x54: {  	_ =	swait.ge [sflag:s13], $0x68  }
0x55: {  	[sflag:s13] =	ssyncset.done $0x0  }
0x56: {  	[sflag:s13] =	ssyncadd.s32 $0xFFFFFF98  }
0x57: {  	_ =	swait.ge [sflag:s13], $0x68  }
0x58: {  	[sflag:s13] =	ssyncset.done $0x0  }
0x59: {  	[sflag:s13] =	ssyncadd.s32 $0xFFFFFF98  }
0x5a: {  	_ =	swait.ge [sflag:s13], $0x68  }
0x5b: {  	[sflag:s13] =	ssyncset.done $0x0  }
0x5c: {  	[sflag:s13] =	ssyncadd.s32 $0xFFFFFF98  }
0x5d: {  	_ =	swait.ge [sflag:s13], $0x68  }
0x5e: {  	[sflag:s13] =	ssyncset.done $0x0  }
0x5f: {  	[sflag:s13] =	ssyncadd.s32 $0xFFFFFF98  }
0x60: {  	_ =	swait.ge [sflag:s13], $0x68  }
0x61: {  	[sflag:s13] =	ssyncset.done $0x0  }
0x62: {  	[sflag:s13] =	ssyncadd.s32 $0xFFFFFF98  }
0x63: {  	[hbm4b:s6+s2] =	stream.linear.scatter [tilespmem:s26], [sflag:$0x2], $0x340, $0x38;
	[tilespmem:$0xE680] =	vst v63  }
0x64: {  	_ =	swait.ge [sflag:s10], $0x340  }
0x65: {  	[sflag:s10] =	ssyncset.done $0x0  }
0x66: {  	s21 =	simm.s32 $0x680;
	s23 =	simm.s32 $0x0;
	[sflag:s10] =	ssyncadd.s32 $0xFFFFFCC0  }
.LBB2_2:
0x67: {  	v0 =	vld [tilespmem:s21+$0xFFFFFCC0]  }
0x68: {  	v1 =	vld [tilespmem:s21+$0xFFFFFCD0]  }
0x69: {  	v2 =	vld [tilespmem:s21+$0xFFFFFCE0]  }
0x6a: {  	v3 =	vld [tilespmem:s21+$0xFFFFFCF0]  }
0x6b: {  	v4 =	vld [tilespmem:s21+$0xFFFFFD00]  }
0x6c: {  	v5 =	vld [tilespmem:s21+$0xFFFFFD10]  }
0x6d: {  	v6 =	vld [tilespmem:s21+$0xFFFFFD20]  }
0x6e: {  	v8 =	vld [tilespmem:s21+$0xFFFFFD30];
	v7 =	vadd.f32 $0.0e+00, v0  }
0x6f: {  	v11 =	vld [tilespmem:s21+$0xFFFFFD40];
	v0 =	vmul.f32 v0, v0;
	v9 =	vadd.f32 $0.0e+00, v1;
	v1 =	vmul.f32 v1, v1  }
0x70: {  	v14 =	vld [tilespmem:s21+$0xFFFFFD50];
	v10 =	vadd.f32 $0.0e+00, v2;
	v2 =	vmul.f32 v2, v2;
	v13 =	vmul.f32 v4, v4  }
0x71: {  	v15 =	vld [tilespmem:s21+$0xFFFFFD60];
	v12 =	vadd.f32 $0.0e+00, v3;
	v3 =	vmul.f32 v3, v3;
	v55 =	vmul.f32 v5, v5  }
0x72: {  	v57 =	vld [tilespmem:s21+$0xFFFFFD70];
	v56 =	vmul.f32 v6, v6;
	v4 =	vadd.f32 v4, v7;
	v0 =	vadd.f32 v13, v0  }
0x73: {  	v59 =	vld [tilespmem:s21+$0xFFFFFD80];
	v58 =	vmul.f32 v8, v8;
	v5 =	vadd.f32 v5, v9;
	v1 =	vadd.f32 v55, v1  }
0x74: {  	v61 =	vld [tilespmem:s21+$0xFFFFFD90];
	v60 =	vmul.f32 v11, v11;
	v6 =	vadd.f32 v6, v10;
	v2 =	vadd.f32 v56, v2  }
0x75: {  	v63 =	vld [tilespmem:s21+$0xFFFFFDA0];
	v62 =	vmul.f32 v14, v14;
	v8 =	vadd.f32 v8, v12;
	v3 =	vadd.f32 v58, v3  }
0x76: {  	v19 =	vld [tilespmem:s21+$0xFFFFFDB0];
	v18 =	vmul.f32 v15, v15;
	v4 =	vadd.f32 v11, v4;
	v0 =	vadd.f32 v60, v0  }
0x77: {  	v21 =	vld [tilespmem:s21+$0xFFFFFDC0];
	v20 =	vmul.f32 v57, v57;
	v5 =	vadd.f32 v14, v5;
	v1 =	vadd.f32 v62, v1  }
0x78: {  	v23 =	vld [tilespmem:s21+$0xFFFFFDD0];
	v22 =	vmul.f32 v59, v59;
	v6 =	vadd.f32 v15, v6;
	v2 =	vadd.f32 v18, v2  }
0x79: {  	v25 =	vld [tilespmem:s21+$0xFFFFFDE0];
	v24 =	vmul.f32 v61, v61;
	v8 =	vadd.f32 v57, v8;
	v3 =	vadd.f32 v20, v3  }
0x7a: {  	v27 =	vld [tilespmem:s21+$0xFFFFFDF0];
	v26 =	vmul.f32 v63, v63;
	v4 =	vadd.f32 v59, v4;
	v0 =	vadd.f32 v22, v0  }
0x7b: {  	v29 =	vld [tilespmem:s21+$0xFFFFFE00];
	v28 =	vmul.f32 v19, v19;
	v5 =	vadd.f32 v61, v5;
	v1 =	vadd.f32 v24, v1  }
0x7c: {  	v31 =	vld [tilespmem:s21+$0xFFFFFE10];
	v30 =	vmul.f32 v21, v21;
	v6 =	vadd.f32 v63, v6;
	v2 =	vadd.f32 v26, v2  }
0x7d: {  	v33 =	vld [tilespmem:s21+$0xFFFFFE20];
	v32 =	vmul.f32 v23, v23;
	v8 =	vadd.f32 v19, v8;
	v3 =	vadd.f32 v28, v3  }
0x7e: {  	v35 =	vld [tilespmem:s21+$0xFFFFFE30];
	v34 =	vmul.f32 v25, v25;
	v4 =	vadd.f32 v21, v4;
	v0 =	vadd.f32 v30, v0  }
0x7f: {  	v37 =	vld [tilespmem:s21+$0xFFFFFE40];
	v36 =	vmul.f32 v27, v27;
	v5 =	vadd.f32 v23, v5;
	v1 =	vadd.f32 v32, v1  }
0x80: {  	v39 =	vld [tilespmem:s21+$0xFFFFFE50];
	v38 =	vmul.f32 v29, v29;
	v6 =	vadd.f32 v25, v6;
	v2 =	vadd.f32 v34, v2  }
0x81: {  	v41 =	vld [tilespmem:s21+$0xFFFFFE60];
	v40 =	vmul.f32 v31, v31;
	v8 =	vadd.f32 v27, v8;
	v3 =	vadd.f32 v36, v3  }
0x82: {  	v43 =	vld [tilespmem:s21+$0xFFFFFE70];
	v42 =	vmul.f32 v33, v33;
	v4 =	vadd.f32 v29, v4;
	v0 =	vadd.f32 v38, v0  }
0x83: {  	v45 =	vld [tilespmem:s21+$0xFFFFFE80];
	v44 =	vmul.f32 v35, v35;
	v5 =	vadd.f32 v31, v5;
	v1 =	vadd.f32 v40, v1  }
0x84: {  	v47 =	vld [tilespmem:s21+$0xFFFFFE90];
	v46 =	vmul.f32 v37, v37;
	v6 =	vadd.f32 v33, v6;
	v2 =	vadd.f32 v42, v2  }
0x85: {  	v49 =	vld [tilespmem:s21+$0xFFFFFEA0];
	v48 =	vmul.f32 v39, v39;
	v8 =	vadd.f32 v35, v8;
	v3 =	vadd.f32 v44, v3  }
0x86: {  	v51 =	vld [tilespmem:s21+$0xFFFFFEB0];
	v50 =	vmul.f32 v41, v41;
	v4 =	vadd.f32 v37, v4;
	v0 =	vadd.f32 v46, v0  }
0x87: {  	v53 =	vld [tilespmem:s21+$0xFFFFFEC0];
	v52 =	vmul.f32 v43, v43;
	v5 =	vadd.f32 v39, v5;
	v1 =	vadd.f32 v48, v1  }
0x88: {  	v54 =	vmul.f32 v45, v45;
	v55 =	vld [tilespmem:s21+$0xFFFFFED0];
	v6 =	vadd.f32 v41, v6;
	v2 =	vadd.f32 v50, v2  }
0x89: {  	v56 =	vmul.f32 v47, v47;
	v57 =	vld [tilespmem:s21+$0xFFFFFEE0];
	v8 =	vadd.f32 v43, v8;
	v3 =	vadd.f32 v52, v3  }
0x8a: {  	v58 =	vmul.f32 v49, v49;
	v59 =	vld [tilespmem:s21+$0xFFFFFEF0];
	v4 =	vadd.f32 v45, v4;
	v0 =	vadd.f32 v54, v0  }
0x8b: {  	v60 =	vmul.f32 v51, v51;
	v61 =	vld [tilespmem:s21+$0xFFFFFF00];
	v5 =	vadd.f32 v47, v5;
	v1 =	vadd.f32 v56, v1  }
0x8c: {  	v62 =	vmul.f32 v53, v53;
	v63 =	vld [tilespmem:s21+$0xFFFFFF10];
	v6 =	vadd.f32 v49, v6;
	v2 =	vadd.f32 v58, v2  }
0x8d: {  	v19 =	vld [tilespmem:s21+$0xFFFFFF20];
	v18 =	vmul.f32 v55, v55;
	v8 =	vadd.f32 v51, v8;
	v3 =	vadd.f32 v60, v3  }
0x8e: {  	v21 =	vld [tilespmem:s21+$0xFFFFFF30];
	v20 =	vmul.f32 v57, v57;
	v4 =	vadd.f32 v53, v4;
	v0 =	vadd.f32 v62, v0  }
0x8f: {  	v23 =	vld [tilespmem:s21+$0xFFFFFF40];
	v22 =	vmul.f32 v59, v59;
	v5 =	vadd.f32 v55, v5;
	v1 =	vadd.f32 v18, v1  }
0x90: {  	v25 =	vld [tilespmem:s21+$0xFFFFFF50];
	v24 =	vmul.f32 v61, v61;
	v6 =	vadd.f32 v57, v6;
	v2 =	vadd.f32 v20, v2  }
0x91: {  	v27 =	vld [tilespmem:s21+$0xFFFFFF60];
	v26 =	vmul.f32 v63, v63;
	v8 =	vadd.f32 v59, v8;
	v3 =	vadd.f32 v22, v3  }
0x92: {  	v29 =	vld [tilespmem:s21+$0xFFFFFF70];
	v28 =	vmul.f32 v19, v19;
	v4 =	vadd.f32 v61, v4;
	v0 =	vadd.f32 v24, v0  }
0x93: {  	v31 =	vld [tilespmem:s21+$0xFFFFFF80];
	v30 =	vmul.f32 v21, v21;
	v5 =	vadd.f32 v63, v5;
	v1 =	vadd.f32 v26, v1  }
0x94: {  	v33 =	vld [tilespmem:s21+$0xFFFFFF90];
	v32 =	vmul.f32 v23, v23;
	v6 =	vadd.f32 v19, v6;
	v2 =	vadd.f32 v28, v2  }
0x95: {  	v35 =	vld [tilespmem:s21+$0xFFFFFFA0];
	v34 =	vmul.f32 v25, v25;
	v8 =	vadd.f32 v21, v8;
	v3 =	vadd.f32 v30, v3  }
0x96: {  	v37 =	vld [tilespmem:s21+$0xFFFFFFB0];
	v36 =	vmul.f32 v27, v27;
	v4 =	vadd.f32 v23, v4;
	v0 =	vadd.f32 v32, v0  }
0x97: {  	v39 =	vld [tilespmem:s21+$0xFFFFFFC0];
	v38 =	vmul.f32 v29, v29;
	v5 =	vadd.f32 v25, v5;
	v1 =	vadd.f32 v34, v1  }
0x98: {  	v41 =	vld [tilespmem:s21+$0xFFFFFFD0];
	v40 =	vmul.f32 v31, v31;
	v6 =	vadd.f32 v27, v6;
	v2 =	vadd.f32 v36, v2  }
0x99: {  	v43 =	vld [tilespmem:s21+$0xFFFFFFE0];
	v42 =	vmul.f32 v33, v33;
	v8 =	vadd.f32 v29, v8;
	v3 =	vadd.f32 v38, v3  }
0x9a: {  	v45 =	vld [tilespmem:s21+$0xFFFFFFF0];
	v44 =	vmul.f32 v35, v35;
	v4 =	vadd.f32 v31, v4;
	v0 =	vadd.f32 v40, v0  }
0x9b: {  	v47 =	vld [tilespmem:s21+$0x0];
	v46 =	vmul.f32 v37, v37;
	v5 =	vadd.f32 v33, v5;
	v1 =	vadd.f32 v42, v1  }
0x9c: {  	v49 =	vld [tilespmem:s21+$0x10];
	v48 =	vmul.f32 v39, v39;
	v6 =	vadd.f32 v35, v6;
	v2 =	vadd.f32 v44, v2  }
0x9d: {  	v51 =	vld [tilespmem:s21+$0x20];
	v50 =	vmul.f32 v41, v41;
	v8 =	vadd.f32 v37, v8;
	v3 =	vadd.f32 v46, v3  }
0x9e: {  	v53 =	vld [tilespmem:s21+$0x30];
	v52 =	vmul.f32 v43, v43;
	v4 =	vadd.f32 v39, v4;
	v0 =	vadd.f32 v48, v0  }
0x9f: {  	v55 =	vld [tilespmem:s21+$0x40];
	v54 =	vmul.f32 v45, v45;
	v5 =	vadd.f32 v41, v5;
	v1 =	vadd.f32 v50, v1  }
0xa0: {  	v57 =	vld [tilespmem:s21+$0x50];
	v56 =	vmul.f32 v47, v47;
	v6 =	vadd.f32 v43, v6;
	v2 =	vadd.f32 v52, v2  }
0xa1: {  	v59 =	vld [tilespmem:s21+$0x60];
	v58 =	vmul.f32 v49, v49;
	v8 =	vadd.f32 v45, v8;
	v3 =	vadd.f32 v54, v3  }
0xa2: {  	v61 =	vld [tilespmem:s21+$0x70];
	v60 =	vmul.f32 v51, v51;
	v4 =	vadd.f32 v47, v4;
	v0 =	vadd.f32 v56, v0  }
0xa3: {  	v63 =	vld [tilespmem:s21+$0x80];
	v62 =	vmul.f32 v53, v53;
	v5 =	vadd.f32 v49, v5;
	v1 =	vadd.f32 v58, v1  }
0xa4: {  	v19 =	vld [tilespmem:s21+$0x90];
	v18 =	vmul.f32 v55, v55;
	v6 =	vadd.f32 v51, v6;
	v2 =	vadd.f32 v60, v2  }
0xa5: {  	v21 =	vld [tilespmem:s21+$0xA0];
	v20 =	vmul.f32 v57, v57;
	v8 =	vadd.f32 v53, v8;
	v3 =	vadd.f32 v62, v3  }
0xa6: {  	v23 =	vld [tilespmem:s21+$0xB0];
	v22 =	vmul.f32 v59, v59;
	v4 =	vadd.f32 v55, v4;
	v0 =	vadd.f32 v18, v0  }
0xa7: {  	v25 =	vld [tilespmem:s21+$0xC0];
	v24 =	vmul.f32 v61, v61;
	v5 =	vadd.f32 v57, v5;
	v1 =	vadd.f32 v20, v1  }
0xa8: {  	v27 =	vld [tilespmem:s21+$0xD0];
	v26 =	vmul.f32 v63, v63;
	v6 =	vadd.f32 v59, v6;
	v2 =	vadd.f32 v22, v2  }
0xa9: {  	v29 =	vld [tilespmem:s21+$0xE0];
	v28 =	vmul.f32 v19, v19;
	v8 =	vadd.f32 v61, v8;
	v3 =	vadd.f32 v24, v3  }
0xaa: {  	v31 =	vld [tilespmem:s21+$0xF0];
	v30 =	vmul.f32 v21, v21;
	v4 =	vadd.f32 v63, v4;
	v0 =	vadd.f32 v26, v0  }
0xab: {  	v33 =	vld [tilespmem:s21+$0x100];
	v32 =	vmul.f32 v23, v23;
	v5 =	vadd.f32 v19, v5;
	v1 =	vadd.f32 v28, v1  }
0xac: {  	v35 =	vld [tilespmem:s21+$0x110];
	v34 =	vmul.f32 v25, v25;
	v6 =	vadd.f32 v21, v6;
	v2 =	vadd.f32 v30, v2  }
0xad: {  	v37 =	vld [tilespmem:s21+$0x120];
	v36 =	vmul.f32 v27, v27;
	v8 =	vadd.f32 v23, v8;
	v3 =	vadd.f32 v32, v3  }
0xae: {  	v39 =	vld [tilespmem:s21+$0x130];
	v38 =	vmul.f32 v29, v29;
	v4 =	vadd.f32 v25, v4;
	v0 =	vadd.f32 v34, v0  }
0xaf: {  	v41 =	vld [tilespmem:s21+$0x140];
	v40 =	vmul.f32 v31, v31;
	v5 =	vadd.f32 v27, v5;
	v1 =	vadd.f32 v36, v1  }
0xb0: {  	v43 =	vld [tilespmem:s21+$0x150];
	v42 =	vmul.f32 v33, v33;
	v6 =	vadd.f32 v29, v6;
	v2 =	vadd.f32 v38, v2  }
0xb1: {  	v45 =	vld [tilespmem:s21+$0x160];
	v44 =	vmul.f32 v35, v35;
	v8 =	vadd.f32 v31, v8;
	v3 =	vadd.f32 v40, v3  }
0xb2: {  	v47 =	vld [tilespmem:s21+$0x170];
	v46 =	vmul.f32 v37, v37;
	v4 =	vadd.f32 v33, v4;
	v0 =	vadd.f32 v42, v0  }
0xb3: {  	v49 =	vld [tilespmem:s21+$0x180];
	v48 =	vmul.f32 v39, v39;
	v5 =	vadd.f32 v35, v5;
	v1 =	vadd.f32 v44, v1  }
0xb4: {  	v51 =	vld [tilespmem:s21+$0x190];
	v50 =	vmul.f32 v41, v41;
	v6 =	vadd.f32 v37, v6;
	v2 =	vadd.f32 v46, v2  }
0xb5: {  	v53 =	vld [tilespmem:s21+$0x1A0];
	v52 =	vmul.f32 v43, v43;
	v8 =	vadd.f32 v39, v8;
	v3 =	vadd.f32 v48, v3  }
0xb6: {  	v55 =	vld [tilespmem:s21+$0x1B0];
	v54 =	vmul.f32 v45, v45;
	v4 =	vadd.f32 v41, v4;
	v0 =	vadd.f32 v50, v0  }
0xb7: {  	v57 =	vld [tilespmem:s21+$0x1C0];
	v56 =	vmul.f32 v47, v47;
	v5 =	vadd.f32 v43, v5;
	v1 =	vadd.f32 v52, v1  }
0xb8: {  	v59 =	vld [tilespmem:s21+$0x1D0];
	v58 =	vmul.f32 v49, v49;
	v6 =	vadd.f32 v45, v6;
	v2 =	vadd.f32 v54, v2  }
0xb9: {  	v61 =	vld [tilespmem:s21+$0x1E0];
	v60 =	vmul.f32 v51, v51;
	v8 =	vadd.f32 v47, v8;
	v3 =	vadd.f32 v56, v3  }
0xba: {  	v63 =	vld [tilespmem:s21+$0x1F0];
	v62 =	vmul.f32 v53, v53;
	v4 =	vadd.f32 v49, v4;
	v0 =	vadd.f32 v58, v0  }
0xbb: {  	v18 =	vld [tilespmem:s21+$0x200];
	v17 =	vmul.f32 v55, v55;
	v5 =	vadd.f32 v51, v5;
	v1 =	vadd.f32 v60, v1  }
0xbc: {  	v20 =	vld [tilespmem:s21+$0x210];
	v19 =	vmul.f32 v57, v57;
	v6 =	vadd.f32 v53, v6;
	v2 =	vadd.f32 v62, v2  }
0xbd: {  	v22 =	vld [tilespmem:s21+$0x220];
	v21 =	vmul.f32 v59, v59;
	v8 =	vadd.f32 v55, v8;
	v3 =	vadd.f32 v17, v3  }
0xbe: {  	v24 =	vld [tilespmem:s21+$0x230];
	v23 =	vmul.f32 v61, v61;
	v4 =	vadd.f32 v57, v4;
	v0 =	vadd.f32 v19, v0  }
0xbf: {  	v26 =	vld [tilespmem:s21+$0x240];
	v25 =	vmul.f32 v63, v63;
	v5 =	vadd.f32 v59, v5;
	v1 =	vadd.f32 v21, v1  }
0xc0: {  	v28 =	vld [tilespmem:s21+$0x250];
	v27 =	vmul.f32 v18, v18;
	v6 =	vadd.f32 v61, v6;
	v2 =	vadd.f32 v23, v2  }
0xc1: {  	v30 =	vld [tilespmem:s21+$0x260];
	v29 =	vmul.f32 v20, v20;
	v8 =	vadd.f32 v63, v8;
	v3 =	vadd.f32 v25, v3  }
0xc2: {  	v32 =	vld [tilespmem:s21+$0x270];
	v31 =	vmul.f32 v22, v22;
	v4 =	vadd.f32 v18, v4;
	v0 =	vadd.f32 v27, v0  }
0xc3: {  	v34 =	vld [tilespmem:s21+$0x280];
	v33 =	vmul.f32 v24, v24;
	v5 =	vadd.f32 v20, v5;
	v1 =	vadd.f32 v29, v1  }
0xc4: {  	v36 =	vld [tilespmem:s21+$0x290];
	v35 =	vmul.f32 v26, v26;
	v6 =	vadd.f32 v22, v6;
	v2 =	vadd.f32 v31, v2  }
0xc5: {  	v38 =	vld [tilespmem:s21+$0x2A0];
	v37 =	vmul.f32 v28, v28;
	v8 =	vadd.f32 v24, v8;
	v3 =	vadd.f32 v33, v3  }
0xc6: {  	v40 =	vld [tilespmem:s21+$0x2B0];
	v39 =	vmul.f32 v30, v30;
	v4 =	vadd.f32 v26, v4;
	v0 =	vadd.f32 v35, v0  }
0xc7: {  	v42 =	vld [tilespmem:s21+$0x2C0];
	v41 =	vmul.f32 v32, v32;
	v5 =	vadd.f32 v28, v5;
	v1 =	vadd.f32 v37, v1  }
0xc8: {  	v44 =	vld [tilespmem:s21+$0x2D0];
	v43 =	vmul.f32 v34, v34;
	v6 =	vadd.f32 v30, v6;
	v2 =	vadd.f32 v39, v2  }
0xc9: {  	v46 =	vld [tilespmem:s21+$0x300];
	v45 =	vmul.f32 v36, v36;
	v8 =	vadd.f32 v32, v8;
	v3 =	vadd.f32 v41, v3  }
0xca: {  	v47 =	vmul.f32 v38, v38;
	v4 =	vadd.f32 v34, v4;
	v0 =	vadd.f32 v43, v0  }
0xcb: {  	v50 =	vld [tilespmem:s21+$0x310];
	v49 =	vmul.f32 v40, v40;
	v5 =	vadd.f32 v36, v5;
	v1 =	vadd.f32 v45, v1  }
0xcc: {  	v48 =	vld [tilespmem:s21+$0x2E0];
	v51 =	vmul.f32 v42, v42;
	v6 =	vadd.f32 v38, v6;
	v2 =	vadd.f32 v47, v2  }
0xcd: {  	v52 =	vld [tilespmem:s21+$0x2F0];
	v53 =	vmul.f32 v44, v44;
	v8 =	vadd.f32 v40, v8;
	v4 =	vadd.f32 v42, v4  }
0xce: {  	v54 =	vld [tilespmem:s21+$0x320];
	v55 =	vmul.f32 v46, v46;
	v3 =	vadd.f32 v49, v3;
	v0 =	vadd.f32 v51, v0  }
0xcf: {  	v57 =	vld [tilespmem:s21+$0x330];
	v5 =	vadd.f32 v44, v5;
	v4 =	vadd.f32 v46, v4  }
0xd0: {  	s25 =	sshra.s32 s23, $0x2;
	v58 =	vmul.f32 v50, v50;
	v1 =	vadd.f32 v53, v1;
	v0 =	vadd.f32 v55, v0  }
0xd1: {  	v56 =	vmul.f32 v48, v48;
	v6 =	vadd.f32 v48, v6;
	v5 =	vadd.f32 v50, v5;
	[tilespmem:s25+$0xD680] =	vst v4  }
0xd2: {  	v59 =	vmul.f32 v52, v52;
	v61 =	vadd.f32 v52, v8;
	v1 =	vadd.f32 v58, v1;
	[tilespmem:s25+$0xDE80] =	vst v0  }
0xd3: {  	p0 =	sne.s32 s23, $0x1F00;
	v60 =	vmul.f32 v54, v54;
	v2 =	vadd.f32 v56, v2;
	v6 =	vadd.f32 v54, v6;
	[tilespmem:s25+$0xD690] =	vst v5  }
.Ltmp0:
0xd4: {  	v62 =	vmul.f32 v57, v57;
	v3 =	vadd.f32 v59, v3;
	v63 =	vadd.f32 v57, v61;
	[tilespmem:s25+$0xDE90] =	vst v1;
	(pc) =	sbr.rel @p0 .LBB2_2-.Ltmp0, $4  }
0xd5: {  	v0 =	vadd.f32 v60, v2;
	[tilespmem:s25+$0xD6A0] =	vst v6  }
0xd6: {  	v2 =	vadd.f32 v62, v3;
	[tilespmem:s25+$0xD6B0] =	vst v63  }
0xd7: {  	[tilespmem:s25+$0xDEA0] =	vst v0  }
0xd8: {  	s23 =	sadd.s32 $0x100, s23;
	s21 =	sadd.s32 $0x680, s21;
	[tilespmem:s25+$0xDEB0] =	vst v2  }
0xd9: {  	[hbm4b:s7+s2] =	stream.linear.scatter [tilespmem:s15], [sflag:$0x2], $0x800, $0x38;
	[tilespmem:$0xE680] =	vst v63  }
0xda: {  	s19 =	sadd.s32 $0x1, s19;
	_ =	swait.ge [sflag:s10], $0x800  }
0xdb: {  	p0 =	sne.s32 s19, s9;
	[sflag:s10] =	ssyncset.done $0x0  }
.Ltmp1:
0xdc: {  	[sflag:s10] =	ssyncadd.s32 $0xFFFFF800;
	(pc) =	sbr.rel @p0 .LBB2_1-.Ltmp1, $4  }
0xdd: {  	[hbm4b:s8+s2] =	stream.linear.scatter [tilespmem:s17], [sflag:$0x2], $0x800, $0x38;
	[tilespmem:$0xE680] =	vst v63  }
0xde: {  	_ =	swait.ge [sflag:s10], $0x800  }
0xdf: {  	[sflag:s10] =	ssyncset.done $0x0  }
0xe0: {  	[sflag:s10] =	ssyncadd.s32 $0xFFFFF800  }
0xe1: {  	_ =	sfence.sel $0x180000  }
0xe2: {  	[bflag:$0x0] =	sbarrier.arrive $0xFFFF  }
0xe3: {  	_ =	strace $0x90000047  }
0xe4: {  	s0 =	stileid.u32;
	[bflag:$0x2] =	sbarrier.arrive $0xFFFF  }
0xe5: {  	p0 =	sne.s32 s0, $0x0;
	s0 =	rddreg [dreg:$0x1]  }
0xe6: {  	s0 =	sadd.s32 @!p0 $0x100000, s0  }
0xe7: {  	[sflag:s0] =	ssyncadd.tile.s32 @!p0 $0x1;
	_ =	shalt  }
.Lfunc_end2:
_tile_overlayer_lowered:
.L_overlay_start_2:
0xe8: {  	(tag) =	ssettag $0x2  }
0xe9: {  	s0 =	rddreg [dreg:$0x0];
	s2 =	stileid.u32  }
0xea: {  	s1 =	rddreg [dreg:$0x1];
	p0 =	sne.s32 s2, $0x0  }
0xeb: {  	s3 =	rddreg [dreg:$0x2];
	[bflag:$0x3] =	sbarrier.arrive $0xFFFF;
	s2 =	simm.s32 @!p0 $0x1C02  }
0xec: {  	[timem:s3], [sflag:s2] =	dma.local @!p0 [hbm:s0], s1  }
0xed: {  	s0 =	simm.s32 @!p0 $0x2  }
0xee: {  	_ =	swait.ge @!p0 [sflag:s0], s1  }
0xef: {  	s1 =	ssub.s32 @!p0 $0x0, s1;
	[sflag:s0] =	ssyncset.done @!p0 $0x0  }
0xf0: {  	[sflag:s0] =	ssyncadd.s32 @!p0 s1  }
0xf1: {  	[bflag:$0x3] =	sbarrier.arrive $0xFFFF  }
0xf2: {  	_ =	shalt  }

</sc_bundles>
